<compile_context>
chip_gen: v7x
topology: tpu7x:2x2x1
jax: 0.10.2.dev20260603
libtpu: 0.0.44.dev20260713+nightly
codegen_flags: <defaults>
</compile_context>

<pallas_src>
import functools

import jax
import jax.numpy as jnp
from jax import lax
from jax.experimental import pallas as pl
from jax.experimental.pallas import tpu as pltpu

_MAXK = 100
_T = 0.07
_NCLS = 1000

_QT = 256
_KT = 2048
_CH = 64
_NSEL = 128
_INT_MIN = -2147483648



def _k1_body(nk_valid, q_ref, t_ref, sim_ref, mx_ref):
    kidx = pl.program_id(1)
    sim = lax.dot_general(q_ref[...], t_ref[...], (((1,), (1,)), ((), ())),
                          preferred_element_type=jnp.float32)
    limit = nk_valid - kidx * _KT
    col = lax.broadcasted_iota(jnp.int32, sim.shape, 1)
    sim = jnp.where(col < limit, sim, -1e30)
    sim_ref[...] = sim
    nch = _KT // _CH
    cmx = jnp.max(sim.reshape(sim.shape[0], nch, _CH), axis=2)
    @pl.when(kidx % 4 == 0)
    def _():
        mx_ref[...] = jnp.full_like(mx_ref[...], -3e38)
    off = (kidx % 4) * nch
    lane_i = lax.broadcasted_iota(jnp.int32, (sim.shape[0], 128), 1)
    full = jnp.concatenate([cmx] * 4, axis=1)
    keep = (lane_i >= off) & (lane_i < off + nch)
    mx_ref[...] = jnp.where(keep, full, mx_ref[...])


def _k1(features_rank, tf_pad, nk_valid):
    q = features_rank.shape[0]
    kpad = tf_pad.shape[0]
    grid = (q // _QT, kpad // _KT)
    return pl.pallas_call(
        functools.partial(_k1_body, nk_valid),
        grid=grid,
        in_specs=[
            pl.BlockSpec((_QT, 128), lambda i, j: (i, 0)),
            pl.BlockSpec((_KT, 128), lambda i, j: (j, 0)),
        ],
        out_specs=[
            pl.BlockSpec((_QT, _KT), lambda i, j: (i, j)),
            pl.BlockSpec((_QT, 128), lambda i, j: (i, j // 4)),
        ],
        out_shape=[
            jax.ShapeDtypeStruct((q, kpad), jnp.float32),
            jax.ShapeDtypeStruct((q, kpad // _CH), jnp.float32),
        ],
        compiler_params=pltpu.CompilerParams(
            dimension_semantics=("parallel", "arbitrary")),
    )(features_rank, tf_pad)



def _k2_body(m_ref, tau_ref):
    b = lax.bitcast_convert_type(m_ref[...], jnp.int32)
    keys = jnp.where(b >= 0, b, (~b) ^ jnp.int32(_INT_MIN))
    n = keys.shape[0]
    lo = jnp.full((n, 1), _INT_MIN, jnp.int32)
    hi = jnp.full((n, 1), jnp.int32(2147483647), jnp.int32)
    for _ in range(32):
        mid = (lo & hi) + ((lo ^ hi) >> 1)
        mid = mid + ((lo ^ hi) & 1)
        cnt = jnp.sum((keys >= mid).astype(jnp.int32), axis=1, keepdims=True)
        ok = cnt >= _MAXK
        lo = jnp.where(ok, mid, lo)
        hi = jnp.where(ok, hi, mid - 1)
    bb = jnp.where(lo >= 0, lo, ~(lo ^ jnp.int32(_INT_MIN)))
    tau_ref[...] = lax.bitcast_convert_type(bb, jnp.float32)


def _k2(mx):
    q, c = mx.shape
    return pl.pallas_call(
        _k2_body,
        grid=(q // _QT,),
        in_specs=[pl.BlockSpec((_QT, c), lambda i: (i, 0))],
        out_specs=pl.BlockSpec((_QT, 1), lambda i: (i, 0)),
        out_shape=jax.ShapeDtypeStruct((q, 1), jnp.float32),
        compiler_params=pltpu.CompilerParams(
            dimension_semantics=("parallel",)),
    )(mx)



def _k3_body(v_ref, l_ref, t_ref, o10_ref, o20_ref, o100_ref):
    v_in = v_ref[...]
    lab = l_ref[...]
    tau = t_ref[...]
    n = v_in.shape[0]
    v0 = jnp.where(v_in >= tau, v_in, -3e38)
    lane = lax.broadcasted_iota(jnp.int32, v0.shape, 1)
    cls = lax.broadcasted_iota(jnp.int32, (n, _NCLS), 1)
    m0 = jnp.max(v0, axis=1, keepdims=True)
    big = jnp.int32(2**30)

    def step(j, carry):
        mcur, lastpos, acc, z = carry
        same_pos = jnp.min(
            jnp.where((v0 == mcur) & (lane > lastpos), lane, big),
            axis=1, keepdims=True)
        has = same_pos < big
        vnext = jnp.max(jnp.where(v0 < mcur, v0, -3e38), axis=1, keepdims=True)
        next_pos = jnp.min(jnp.where(v0 == vnext, lane, big),
                           axis=1, keepdims=True)
        mj = jnp.where(has, mcur, vnext)
        pos = jnp.where(has, same_pos, next_pos)
        ej = jnp.exp((mj - m0) / _T)
        labj = jnp.sum(jnp.where(lane == pos, lab, 0), axis=1, keepdims=True)
        acc = acc + jnp.where(cls == labj, ej, 0.0)
        z = z + ej

        @pl.when(j == 9)
        def _():
            o10_ref[...] = acc

        @pl.when(j == 19)
        def _():
            o20_ref[...] = acc

        return mj, pos, acc, z

    _, _, acc, z = lax.fori_loop(
        0, _MAXK, step,
        (jnp.full((n, 1), 3e38, jnp.float32),
         jnp.full((n, 1), -1, jnp.int32),
         jnp.zeros((n, _NCLS), jnp.float32), jnp.zeros((n, 1), jnp.float32)))
    o100_ref[...] = acc / z
    o10_ref[...] = o10_ref[...] / z
    o20_ref[...] = o20_ref[...] / z


def _k3(cval, clab, tau):
    q, w = cval.shape
    qt = 128
    out_sds = jax.ShapeDtypeStruct((q, _NCLS), jnp.float32)
    return pl.pallas_call(
        _k3_body,
        grid=(q // qt,),
        in_specs=[
            pl.BlockSpec((qt, w), lambda i: (i, 0)),
            pl.BlockSpec((qt, w), lambda i: (i, 0)),
            pl.BlockSpec((qt, 1), lambda i: (i, 0)),
        ],
        out_specs=[
            pl.BlockSpec((qt, _NCLS), lambda i: (i, 0)),
            pl.BlockSpec((qt, _NCLS), lambda i: (i, 0)),
            pl.BlockSpec((qt, _NCLS), lambda i: (i, 0)),
        ],
        out_shape=[out_sds, out_sds, out_sds],
        compiler_params=pltpu.CompilerParams(
            dimension_semantics=("arbitrary",)),
    )(cval, clab, tau)



def kernel(train_features, train_labels, features_rank):
    nk = train_features.shape[0]
    blk = _KT * 4
    kpad = ((nk + blk - 1) // blk) * blk
    nchunks = kpad // _CH
    tf = jnp.pad(train_features, ((0, kpad - nk), (0, 0)))
    sim, mx = _k1(features_rank, tf, nk)
    tau = _k2(mx)
    _, cidx = lax.top_k(mx, _NSEL)
    q = features_rank.shape[0]
    sim3 = sim.reshape(-1, nchunks, _CH)
    cval = jnp.take_along_axis(sim3, cidx[:, :, None], axis=1).reshape(q, -1)
    labrows = jnp.pad(train_labels, (0, kpad - nk)).reshape(nchunks, _CH)
    clab = jnp.take(labrows, cidx, axis=0).reshape(q, -1)
    o10, o20, o100 = _k3(cval.reshape(q, -1), clab.reshape(q, -1), tau)
    return (o10, o20, o100)

# --- scband reference (transcript-rebuilt; emitter-appended) ---
"""Pipeline reference for scband-knn-module-8435315770079 (READ-ONLY COPY).

The authoritative reference and input builder live on the scoring server;
editing this copy changes nothing except your own understanding.
"""

import jax, jax.numpy as jnp
import numpy as np

NB_KNN = (10, 20, 100)
MAX_K = 100
T = 0.07
NUM_CLASSES = 1000


def setup_inputs(seed: int = 0) -> dict:
    key = jax.random.key(seed)
    k1, k2, k3 = jax.random.split(key, 3)
    train_features = jax.random.normal(k1, (100000, 128), dtype=jnp.float32)
    train_labels = jax.random.randint(k2, (100000,), 0, NUM_CLASSES, dtype=jnp.int32)
    features_rank = jax.random.normal(k3, (4096, 128), dtype=jnp.float32)
    return {
        "train_features": train_features,
        "train_labels": train_labels,
        "features_rank": features_rank,
    }


def reference(train_features, train_labels, features_rank):
    # Single-rank equivalent of the distributed KnnModule:
    # the full train chunk lives on this device (global_size == 1).
    train_features_rank_T = train_features.T  # [d, K]
    # similarity of queries against the train chunk
    similarity = jnp.matmul(features_rank, train_features_rank_T)  # [Q, K]
    # _get_knn_sims_and_labels
    topk_sims, indices = jax.lax.top_k(similarity, MAX_K)  # [Q, max_k] each
    candidate_labels = train_labels[None, :]  # [1, K] == self.candidates
    # torch.gather(candidate_labels.expand(Q, -1), 1, indices) == train_labels[indices]
    neighbors_labels = jnp.take(train_labels, indices, axis=0)  # [Q, max_k]
    # forward tail
    batch_size = neighbors_labels.shape[0]
    topk_sims_transform = jax.nn.softmax(topk_sims / T, axis=1)  # [Q, max_k]
    one_hot = jax.nn.one_hot(neighbors_labels, NUM_CLASSES, dtype=topk_sims_transform.dtype)  # [Q, max_k, C]
    matmul = one_hot * topk_sims_transform.reshape(batch_size, -1, 1)  # [Q, max_k, C]
    probas_for_k = tuple(jnp.sum(matmul[:, :k, :], axis=1) for k in NB_KNN)
    return probas_for_k

if __name__ == "__main__":
    import jax
    _d = setup_inputs()
    print(jax.jit(kernel)(*tuple(_d.values())))

</pallas_src>

<mosaic_0001>
module attributes {stable_mosaic.version = 14 : i64} {
  func.func @_k1_body(%arg0: i32, %arg1: i32, %arg2: memref<256x128xf32, #tpu.memory_space<vmem>>, %arg3: memref<2048x128xf32, #tpu.memory_space<vmem>>, %arg4: memref<256x2048xf32, #tpu.memory_space<vmem>>, %arg5: memref<256x128xf32, #tpu.memory_space<vmem>>) attributes {dimension_semantics = [#tpu.dimension_semantics<parallel>, #tpu.dimension_semantics<arbitrary>], iteration_bounds = array<i64: 16, 52>, scalar_prefetch = 0 : i64, scratch_operands = 0 : i64, tpu.core_type = #tpu.core_type<tc>, window_params = [{transform_indices = @transform_0, window_bounds = array<i64: 256, 128>}, {transform_indices = @transform_1, window_bounds = array<i64: 2048, 128>}, {transform_indices = @transform_2, window_bounds = array<i64: 256, 2048>}, {transform_indices = @transform_3, window_bounds = array<i64: 256, 128>}]} {
    %get3A = arith.constant 0 : index
    %get3A_0 = arith.constant 0 : index
    %get3A_1 = vector.load %arg2[%get3A, %get3A_0] : memref<256x128xf32, #tpu.memory_space<vmem>>, vector<256x128xf32>
    %get3A_2 = arith.constant 0 : index
    %get3A_3 = arith.constant 0 : index
    %get3A_4 = vector.load %arg3[%get3A_2, %get3A_3] : memref<2048x128xf32, #tpu.memory_space<vmem>>, vector<2048x128xf32>
    %dot_general3A = arith.constant dense<0.000000e+00> : vector<256x2048xf32>
    %dot_general3A_5 = tpu.matmul %get3A_1, %get3A_4, %dot_general3A {dimension_numbers = #tpu.dot_dimension_numbers<[1], [1], [0], [0], [0, 0, 1, 0], [], []>, transpose_lhs_hint = false} : vector<256x128xf32>, vector<2048x128xf32>, vector<256x2048xf32> -> vector<256x2048xf32>
    %mul3A = arith.constant 2048 : i32
    %mul3A_6 = arith.muli %arg1, %mul3A : i32
    %sub3A = arith.constant 100000 : i32
    %sub3A_7 = arith.subi %sub3A, %mul3A_6 : i32
    %iota3A = tpu.iota {dimensions = array<i32: 1>} : vector<256x2048xi32>
    %lt3A = vector.broadcast %sub3A_7 : i32 to vector<256x2048xi32>
    %lt3A_8 = arith.cmpi slt, %iota3A, %lt3A : vector<256x2048xi32>
    %jit3A = arith.constant -1.000000e+30 : f32
    %broadcast_in_dim3A = vector.broadcast %jit3A : f32 to vector<256x2048xf32>
    %select_n3A = arith.select %lt3A_8, %dot_general3A_5, %broadcast_in_dim3A : vector<256x2048xi1>, vector<256x2048xf32>
    %swap3A = arith.constant 0 : index
    %swap3A_9 = arith.constant 0 : index
    %swap3A_10 = vector.load %arg4[%swap3A, %swap3A_9] : memref<256x2048xf32, #tpu.memory_space<vmem>>, vector<256x2048xf32>
    tpu.vector_store %arg4[%swap3A, %swap3A_9], %select_n3A {strides = array<i32>} : memref<256x2048xf32, #tpu.memory_space<vmem>>, vector<256x2048xf32>,
    %reshape3A = vector.shape_cast %select_n3A : vector<256x2048xf32> to vector<256x32x64xf32>
    %reduce_max3A = arith.constant dense<0xFF800000> : vector<256x32xf32>
    %reduce_max3A_11 = vector.multi_reduction <maximumf>, %reshape3A, %reduce_max3A [2] : vector<256x32x64xf32> to vector<256x32xf32>
    %jit3A_12 = arith.constant 4 : i32
    %eq3A = arith.constant 0 : i32
    %eq3A_13 = arith.cmpi eq, %jit3A_12, %eq3A : i32
    %jit3A_14 = arith.constant 1 : i32
    %select_n3A_15 = arith.select %eq3A_13, %jit3A_14, %jit3A_12 : i32
    %rem3A = arith.remsi %arg1, %select_n3A_15 : i32
    %ne3A = arith.constant 0 : i32
    %ne3A_16 = arith.cmpi ne, %rem3A, %ne3A : i32
    %lt3A_17 = arith.constant 0 : i32
    %lt3A_18 = arith.cmpi slt, %rem3A, %lt3A_17 : i32
    %lt3A_19 = arith.constant 0 : i32
    %lt3A_20 = arith.cmpi slt, %select_n3A_15, %lt3A_19 : i32
    %ne3A_21 = arith.xori %lt3A_18, %lt3A_20 : i1
    %and3A = arith.andi %ne3A_21, %ne3A_16 : i1
    %add3A = arith.addi %rem3A, %select_n3A_15 : i32
    %select_n3A_22 = arith.select %and3A, %add3A, %rem3A : i32
    %eq3A_23 = arith.constant 0 : i32
    %eq3A_24 = arith.cmpi eq, %select_n3A_22, %eq3A_23 : i32
    %convert_element_type3A = arith.extui %eq3A_24 : i1 to i32
    %cond3A = arith.constant 0 : i32
    %cond3A_25 = arith.cmpi ne, %convert_element_type3A, %cond3A : i32
    scf.if %cond3A_25 {
      %broadcast_in_dim3A_58 = arith.constant -3.000000e+38 : f32
      %broadcast_in_dim3A_59 = vector.broadcast %broadcast_in_dim3A_58 : f32 to vector<256x128xf32>
      %swap3A_60 = arith.constant 0 : index
      %swap3A_61 = arith.constant 0 : index
      %swap3A_62 = vector.load %arg5[%swap3A_60, %swap3A_61] : memref<256x128xf32, #tpu.memory_space<vmem>>, vector<256x128xf32>
      tpu.vector_store %arg5[%swap3A_60, %swap3A_61], %broadcast_in_dim3A_59 {strides = array<i32>} : memref<256x128xf32, #tpu.memory_space<vmem>>, vector<256x128xf32>,
    } else {
    }
    %jit3A_26 = arith.constant 4 : i32
    %eq3A_27 = arith.constant 0 : i32
    %eq3A_28 = arith.cmpi eq, %jit3A_26, %eq3A_27 : i32
    %jit3A_29 = arith.constant 1 : i32
    %select_n3A_30 = arith.select %eq3A_28, %jit3A_29, %jit3A_26 : i32
    %rem3A_31 = arith.remsi %arg1, %select_n3A_30 : i32
    %ne3A_32 = arith.constant 0 : i32
    %ne3A_33 = arith.cmpi ne, %rem3A_31, %ne3A_32 : i32
    %lt3A_34 = arith.constant 0 : i32
    %lt3A_35 = arith.cmpi slt, %rem3A_31, %lt3A_34 : i32
    %lt3A_36 = arith.constant 0 : i32
    %lt3A_37 = arith.cmpi slt, %select_n3A_30, %lt3A_36 : i32
    %ne3A_38 = arith.xori %lt3A_35, %lt3A_37 : i1
    %and3A_39 = arith.andi %ne3A_38, %ne3A_33 : i1
    %add3A_40 = arith.addi %rem3A_31, %select_n3A_30 : i32
    %select_n3A_41 = arith.select %and3A_39, %add3A_40, %rem3A_31 : i32
    %mul3A_42 = arith.constant 32 : i32
    %mul3A_43 = arith.muli %select_n3A_41, %mul3A_42 : i32
    %iota3A_44 = tpu.iota {dimensions = array<i32: 1>} : vector<256x128xi32>
    %concatenate3A = tpu.concatenate %reduce_max3A_11, %reduce_max3A_11, %reduce_max3A_11, %reduce_max3A_11 in 1 : vector<256x32xf32>, vector<256x32xf32>, vector<256x32xf32>, vector<256x32xf32> -> vector<256x128xf32>
    %ge3A = vector.broadcast %mul3A_43 : i32 to vector<256x128xi32>
    %ge3A_45 = arith.cmpi sge, %iota3A_44, %ge3A : vector<256x128xi32>
    %add3A_46 = arith.constant 32 : i32
    %add3A_47 = arith.addi %mul3A_43, %add3A_46 : i32
    %lt3A_48 = vector.broadcast %add3A_47 : i32 to vector<256x128xi32>
    %lt3A_49 = arith.cmpi slt, %iota3A_44, %lt3A_48 : vector<256x128xi32>
    %and3A_50 = arith.andi %ge3A_45, %lt3A_49 : vector<256x128xi1>
    %get3A_51 = arith.constant 0 : index
    %get3A_52 = arith.constant 0 : index
    %get3A_53 = vector.load %arg5[%get3A_51, %get3A_52] : memref<256x128xf32, #tpu.memory_space<vmem>>, vector<256x128xf32>
    %select_n3A_54 = arith.select %and3A_50, %concatenate3A, %get3A_53 : vector<256x128xi1>, vector<256x128xf32>
    %swap3A_55 = arith.constant 0 : index
    %swap3A_56 = arith.constant 0 : index
    %swap3A_57 = vector.load %arg5[%swap3A_55, %swap3A_56] : memref<256x128xf32, #tpu.memory_space<vmem>>, vector<256x128xf32>
    tpu.vector_store %arg5[%swap3A_55, %swap3A_56], %select_n3A_54 {strides = array<i32>} : memref<256x128xf32, #tpu.memory_space<vmem>>, vector<256x128xf32>,
    return
  }
  func.func @transform_0(%arg0: i32, %arg1: i32) -> (i32, i32) {
    %c0_i32 = arith.constant 0 : i32
    %c0_i32_0 = arith.constant 0 : i32
    return %arg0, %c0_i32 : i32, i32
  }
  func.func @transform_1(%arg0: i32, %arg1: i32) -> (i32, i32) {
    %c0_i32 = arith.constant 0 : i32
    %c0_i32_0 = arith.constant 0 : i32
    return %arg1, %c0_i32 : i32, i32
  }
  func.func @transform_2(%arg0: i32, %arg1: i32) -> (i32, i32) {
    %c0_i32 = arith.constant 0 : i32
    return %arg0, %arg1 : i32, i32
  }
  func.func @transform_3(%arg0: i32, %arg1: i32) -> (i32, i32) {
    %jit3A = arith.constant 4 : i32
    %div3A = arith.divsi %arg1, %jit3A : i32
    %sign3A = arith.constant 0 : i32
    %sign3A_0 = arith.cmpi sgt, %arg1, %sign3A : i32
    %sign3A_1 = arith.extui %sign3A_0 : i1 to i32
    %sign3A_2 = arith.constant 0 : i32
    %sign3A_3 = arith.cmpi slt, %arg1, %sign3A_2 : i32
    %sign3A_4 = arith.extui %sign3A_3 : i1 to i32
    %sign3A_5 = arith.subi %sign3A_1, %sign3A_4 : i32
    %sign3A_6 = arith.constant 0 : i32
    %sign3A_7 = arith.cmpi sgt, %jit3A, %sign3A_6 : i32
    %sign3A_8 = arith.extui %sign3A_7 : i1 to i32
    %sign3A_9 = arith.constant 0 : i32
    %sign3A_10 = arith.cmpi slt, %jit3A, %sign3A_9 : i32
    %sign3A_11 = arith.extui %sign3A_10 : i1 to i32
    %sign3A_12 = arith.subi %sign3A_8, %sign3A_11 : i32
    %ne3A = arith.cmpi ne, %sign3A_5, %sign3A_12 : i32
    %rem3A = arith.remsi %arg1, %jit3A : i32
    %ne3A_13 = arith.constant 0 : i32
    %ne3A_14 = arith.cmpi ne, %rem3A, %ne3A_13 : i32
    %and3A = arith.andi %ne3A, %ne3A_14 : i1
    %sub3A = arith.constant 1 : i32
    %sub3A_15 = arith.subi %div3A, %sub3A : i32
    %select_n3A = arith.select %and3A, %sub3A_15, %div3A : i32
    %c0_i32 = arith.constant 0 : i32
    return %arg0, %select_n3A : i32, i32
  }
}

module attributes {stable_mosaic.version = 14 : i64} {
  func.func @_k2_body(%arg0: i32, %arg1: memref<256x1664xf32, #tpu.memory_space<vmem>>, %arg2: memref<256x1xf32, #tpu.memory_space<vmem>>) attributes {dimension_semantics = [#tpu.dimension_semantics<parallel>], iteration_bounds = array<i64: 16>, scalar_prefetch = 0 : i64, scratch_operands = 0 : i64, tpu.core_type = #tpu.core_type<tc>, window_params = [{transform_indices = @transform_0, window_bounds = array<i64: 256, 1664>}, {transform_indices = @transform_1, window_bounds = array<i64: 256, 1>}]} {
    %get3A = arith.constant 0 : index
    %get3A_0 = arith.constant 0 : index
    %get3A_1 = vector.load %arg1[%get3A, %get3A_0] : memref<256x1664xf32, #tpu.memory_space<vmem>>, vector<256x1664xf32>
    %bitcast_convert_type3A = tpu.bitcast %get3A_1 : vector<256x1664xf32> -> vector<256x1664xi32>
    %ge3A = arith.constant 0 : i32
    %ge3A_2 = vector.broadcast %ge3A : i32 to vector<256x1664xi32>
    %ge3A_3 = arith.cmpi sge, %bitcast_convert_type3A, %ge3A_2 : vector<256x1664xi32>
    %not3A = arith.constant dense<-1> : vector<256x1664xi32>
    %not3A_4 = arith.xori %bitcast_convert_type3A, %not3A : vector<256x1664xi32>
    %xor3A = arith.constant -2147483648 : i32
    %xor3A_5 = vector.broadcast %xor3A : i32 to vector<256x1664xi32>
    %xor3A_6 = arith.xori %not3A_4, %xor3A_5 : vector<256x1664xi32>
    %select_n3A = arith.select %ge3A_3, %bitcast_convert_type3A, %xor3A_6 : vector<256x1664xi1>, vector<256x1664xi32>
    %broadcast_in_dim3A = arith.constant -2147483648 : i32
    %broadcast_in_dim3A_7 = vector.broadcast %broadcast_in_dim3A : i32 to vector<256x1xi32>
    %broadcast_in_dim3A_8 = arith.constant 2147483647 : i32
    %broadcast_in_dim3A_9 = vector.broadcast %broadcast_in_dim3A_8 : i32 to vector<256x1xi32>
    %and3A = arith.andi %broadcast_in_dim3A_7, %broadcast_in_dim3A_9 : vector<256x1xi32>
    %xor3A_10 = arith.xori %broadcast_in_dim3A_7, %broadcast_in_dim3A_9 : vector<256x1xi32>
    %shift_right_arithmetic3A = arith.constant 1 : i32
    %shift_right_arithmetic3A_11 = vector.broadcast %shift_right_arithmetic3A : i32 to vector<256x1xi32>
    %shift_right_arithmetic3A_12 = arith.shrsi %xor3A_10, %shift_right_arithmetic3A_11 : vector<256x1xi32>
    %add3A = arith.addi %and3A, %shift_right_arithmetic3A_12 : vector<256x1xi32>
    %xor3A_13 = arith.xori %broadcast_in_dim3A_7, %broadcast_in_dim3A_9 : vector<256x1xi32>
    %and3A_14 = arith.constant 1 : i32
    %and3A_15 = vector.broadcast %and3A_14 : i32 to vector<256x1xi32>
    %and3A_16 = arith.andi %xor3A_13, %and3A_15 : vector<256x1xi32>
    %add3A_17 = arith.addi %add3A, %and3A_16 : vector<256x1xi32>
    %ge3A_18 = vector.broadcast %add3A_17 : vector<256x1xi32> to vector<256x1664xi32>
    %ge3A_19 = arith.cmpi sge, %select_n3A, %ge3A_18 : vector<256x1664xi32>
    %convert_element_type3A = arith.extui %ge3A_19 : vector<256x1664xi1> to vector<256x1664xi32>
    %reduce_sum3A = arith.constant dense<0> : vector<256xi32>
    %reduce_sum3A_20 = vector.multi_reduction <add>, %convert_element_type3A, %reduce_sum3A [1] : vector<256x1664xi32> to vector<256xi32>
    %broadcast_in_dim3A_21 = vector.shape_cast %reduce_sum3A_20 : vector<256xi32> to vector<256x1xi32>
    %ge3A_22 = arith.constant 100 : i32
    %ge3A_23 = vector.broadcast %ge3A_22 : i32 to vector<256x1xi32>
    %ge3A_24 = arith.cmpi sge, %broadcast_in_dim3A_21, %ge3A_23 : vector<256x1xi32>
    %select_n3A_25 = arith.select %ge3A_24, %add3A_17, %broadcast_in_dim3A_7 : vector<256x1xi1>, vector<256x1xi32>
    %sub3A = arith.constant 1 : i32
    %sub3A_26 = vector.broadcast %sub3A : i32 to vector<256x1xi32>
    %sub3A_27 = arith.subi %add3A_17, %sub3A_26 : vector<256x1xi32>
    %select_n3A_28 = arith.select %ge3A_24, %broadcast_in_dim3A_9, %sub3A_27 : vector<256x1xi1>, vector<256x1xi32>
    %and3A_29 = arith.andi %select_n3A_25, %select_n3A_28 : vector<256x1xi32>
    %xor3A_30 = arith.xori %select_n3A_25, %select_n3A_28 : vector<256x1xi32>
    %shift_right_arithmetic3A_31 = arith.constant 1 : i32
    %shift_right_arithmetic3A_32 = vector.broadcast %shift_right_arithmetic3A_31 : i32 to vector<256x1xi32>
    %shift_right_arithmetic3A_33 = arith.shrsi %xor3A_30, %shift_right_arithmetic3A_32 : vector<256x1xi32>
    %add3A_34 = arith.addi %and3A_29, %shift_right_arithmetic3A_33 : vector<256x1xi32>
    %xor3A_35 = arith.xori %select_n3A_25, %select_n3A_28 : vector<256x1xi32>
    %and3A_36 = arith.constant 1 : i32
    %and3A_37 = vector.broadcast %and3A_36 : i32 to vector<256x1xi32>
    %and3A_38 = arith.andi %xor3A_35, %and3A_37 : vector<256x1xi32>
    %add3A_39 = arith.addi %add3A_34, %and3A_38 : vector<256x1xi32>
    %ge3A_40 = vector.broadcast %add3A_39 : vector<256x1xi32> to vector<256x1664xi32>
    %ge3A_41 = arith.cmpi sge, %select_n3A, %ge3A_40 : vector<256x1664xi32>
    %convert_element_type3A_42 = arith.extui %ge3A_41 : vector<256x1664xi1> to vector<256x1664xi32>
    %reduce_sum3A_43 = arith.constant dense<0> : vector<256xi32>
    %reduce_sum3A_44 = vector.multi_reduction <add>, %convert_element_type3A_42, %reduce_sum3A_43 [1] : vector<256x1664xi32> to vector<256xi32>
    %broadcast_in_dim3A_45 = vector.shape_cast %reduce_sum3A_44 : vector<256xi32> to vector<256x1xi32>
    %ge3A_46 = arith.constant 100 : i32
    %ge3A_47 = vector.broadcast %ge3A_46 : i32 to vector<256x1xi32>
    %ge3A_48 = arith.cmpi sge, %broadcast_in_dim3A_45, %ge3A_47 : vector<256x1xi32>
    %select_n3A_49 = arith.select %ge3A_48, %add3A_39, %select_n3A_25 : vector<256x1xi1>, vector<256x1xi32>
    %sub3A_50 = arith.constant 1 : i32
    %sub3A_51 = vector.broadcast %sub3A_50 : i32 to vector<256x1xi32>
    %sub3A_52 = arith.subi %add3A_39, %sub3A_51 : vector<256x1xi32>
    %select_n3A_53 = arith.select %ge3A_48, %select_n3A_28, %sub3A_52 : vector<256x1xi1>, vector<256x1xi32>
    %and3A_54 = arith.andi %select_n3A_49, %select_n3A_53 : vector<256x1xi32>
    %xor3A_55 = arith.xori %select_n3A_49, %select_n3A_53 : vector<256x1xi32>
    %shift_right_arithmetic3A_56 = arith.constant 1 : i32
    %shift_right_arithmetic3A_57 = vector.broadcast %shift_right_arithmetic3A_56 : i32 to vector<256x1xi32>
    %shift_right_arithmetic3A_58 = arith.shrsi %xor3A_55, %shift_right_arithmetic3A_57 : vector<256x1xi32>
    %add3A_59 = arith.addi %and3A_54, %shift_right_arithmetic3A_58 : vector<256x1xi32>
    %xor3A_60 = arith.xori %select_n3A_49, %select_n3A_53 : vector<256x1xi32>
    %and3A_61 = arith.constant 1 : i32
    %and3A_62 = vector.broadcast %and3A_61 : i32 to vector<256x1xi32>
    %and3A_63 = arith.andi %xor3A_60, %and3A_62 : vector<256x1xi32>
    %add3A_64 = arith.addi %add3A_59, %and3A_63 : vector<256x1xi32>
    %ge3A_65 = vector.broadcast %add3A_64 : vector<256x1xi32> to vector<256x1664xi32>
    %ge3A_66 = arith.cmpi sge, %select_n3A, %ge3A_65 : vector<256x1664xi32>
    %convert_element_type3A_67 = arith.extui %ge3A_66 : vector<256x1664xi1> to vector<256x1664xi32>
    %reduce_sum3A_68 = arith.constant dense<0> : vector<256xi32>
    %reduce_sum3A_69 = vector.multi_reduction <add>, %convert_element_type3A_67, %reduce_sum3A_68 [1] : vector<256x1664xi32> to vector<256xi32>
    %broadcast_in_dim3A_70 = vector.shape_cast %reduce_sum3A_69 : vector<256xi32> to vector<256x1xi32>
    %ge3A_71 = arith.constant 100 : i32
    %ge3A_72 = vector.broadcast %ge3A_71 : i32 to vector<256x1xi32>
    %ge3A_73 = arith.cmpi sge, %broadcast_in_dim3A_70, %ge3A_72 : vector<256x1xi32>
    %select_n3A_74 = arith.select %ge3A_73, %add3A_64, %select_n3A_49 : vector<256x1xi1>, vector<256x1xi32>
    %sub3A_75 = arith.constant 1 : i32
    %sub3A_76 = vector.broadcast %sub3A_75 : i32 to vector<256x1xi32>
    %sub3A_77 = arith.subi %add3A_64, %sub3A_76 : vector<256x1xi32>
    %select_n3A_78 = arith.select %ge3A_73, %select_n3A_53, %sub3A_77 : vector<256x1xi1>, vector<256x1xi32>
    %and3A_79 = arith.andi %select_n3A_74, %select_n3A_78 : vector<256x1xi32>
    %xor3A_80 = arith.xori %select_n3A_74, %select_n3A_78 : vector<256x1xi32>
    %shift_right_arithmetic3A_81 = arith.constant 1 : i32
    %shift_right_arithmetic3A_82 = vector.broadcast %shift_right_arithmetic3A_81 : i32 to vector<256x1xi32>
    %shift_right_arithmetic3A_83 = arith.shrsi %xor3A_80, %shift_right_arithmetic3A_82 : vector<256x1xi32>
    %add3A_84 = arith.addi %and3A_79, %shift_right_arithmetic3A_83 : vector<256x1xi32>
    %xor3A_85 = arith.xori %select_n3A_74, %select_n3A_78 : vector<256x1xi32>
    %and3A_86 = arith.constant 1 : i32
    %and3A_87 = vector.broadcast %and3A_86 : i32 to vector<256x1xi32>
    %and3A_88 = arith.andi %xor3A_85, %and3A_87 : vector<256x1xi32>
    %add3A_89 = arith.addi %add3A_84, %and3A_88 : vector<256x1xi32>
    %ge3A_90 = vector.broadcast %add3A_89 : vector<256x1xi32> to vector<256x1664xi32>
    %ge3A_91 = arith.cmpi sge, %select_n3A, %ge3A_90 : vector<256x1664xi32>
    %convert_element_type3A_92 = arith.extui %ge3A_91 : vector<256x1664xi1> to vector<256x1664xi32>
    %reduce_sum3A_93 = arith.constant dense<0> : vector<256xi32>
    %reduce_sum3A_94 = vector.multi_reduction <add>, %convert_element_type3A_92, %reduce_sum3A_93 [1] : vector<256x1664xi32> to vector<256xi32>
    %broadcast_in_dim3A_95 = vector.shape_cast %reduce_sum3A_94 : vector<256xi32> to vector<256x1xi32>
    %ge3A_96 = arith.constant 100 : i32
    %ge3A_97 = vector.broadcast %ge3A_96 : i32 to vector<256x1xi32>
    %ge3A_98 = arith.cmpi sge, %broadcast_in_dim3A_95, %ge3A_97 : vector<256x1xi32>
    %select_n3A_99 = arith.select %ge3A_98, %add3A_89, %select_n3A_74 : vector<256x1xi1>, vector<256x1xi32>
    %sub3A_100 = arith.constant 1 : i32
    %sub3A_101 = vector.broadcast %sub3A_100 : i32 to vector<256x1xi32>
    %sub3A_102 = arith.subi %add3A_89, %sub3A_101 : vector<256x1xi32>
    %select_n3A_103 = arith.select %ge3A_98, %select_n3A_78, %sub3A_102 : vector<256x1xi1>, vector<256x1xi32>
    %and3A_104 = arith.andi %select_n3A_99, %select_n3A_103 : vector<256x1xi32>
    %xor3A_105 = arith.xori %select_n3A_99, %select_n3A_103 : vector<256x1xi32>
    %shift_right_arithmetic3A_106 = arith.constant 1 : i32
    %shift_right_arithmetic3A_107 = vector.broadcast %shift_right_arithmetic3A_106 : i32 to vector<256x1xi32>
    %shift_right_arithmetic3A_108 = arith.shrsi %xor3A_105, %shift_right_arithmetic3A_107 : vector<256x1xi32>
    %add3A_109 = arith.addi %and3A_104, %shift_right_arithmetic3A_108 : vector<256x1xi32>
    %xor3A_110 = arith.xori %select_n3A_99, %select_n3A_103 : vector<256x1xi32>
    %and3A_111 = arith.constant 1 : i32
    %and3A_112 = vector.broadcast %and3A_111 : i32 to vector<256x1xi32>
    %and3A_113 = arith.andi %xor3A_110, %and3A_112 : vector<256x1xi32>
    %add3A_114 = arith.addi %add3A_109, %and3A_113 : vector<256x1xi32>
    %ge3A_115 = vector.broadcast %add3A_114 : vector<256x1xi32> to vector<256x1664xi32>
    %ge3A_116 = arith.cmpi sge, %select_n3A, %ge3A_115 : vector<256x1664xi32>
    %convert_element_type3A_117 = arith.extui %ge3A_116 : vector<256x1664xi1> to vector<256x1664xi32>
    %reduce_sum3A_118 = arith.constant dense<0> : vector<256xi32>
    %reduce_sum3A_119 = vector.multi_reduction <add>, %convert_element_type3A_117, %reduce_sum3A_118 [1] : vector<256x1664xi32> to vector<256xi32>
    %broadcast_in_dim3A_120 = vector.shape_cast %reduce_sum3A_119 : vector<256xi32> to vector<256x1xi32>
    %ge3A_121 = arith.constant 100 : i32
    %ge3A_122 = vector.broadcast %ge3A_121 : i32 to vector<256x1xi32>
    %ge3A_123 = arith.cmpi sge, %broadcast_in_dim3A_120, %ge3A_122 : vector<256x1xi32>
    %select_n3A_124 = arith.select %ge3A_123, %add3A_114, %select_n3A_99 : vector<256x1xi1>, vector<256x1xi32>
    %sub3A_125 = arith.constant 1 : i32
    %sub3A_126 = vector.broadcast %sub3A_125 : i32 to vector<256x1xi32>
    %sub3A_127 = arith.subi %add3A_114, %sub3A_126 : vector<256x1xi32>
    %select_n3A_128 = arith.select %ge3A_123, %select_n3A_103, %sub3A_127 : vector<256x1xi1>, vector<256x1xi32>
    %and3A_129 = arith.andi %select_n3A_124, %select_n3A_128 : vector<256x1xi32>
    %xor3A_130 = arith.xori %select_n3A_124, %select_n3A_128 : vector<256x1xi32>
    %shift_right_arithmetic3A_131 = arith.constant 1 : i32
    %shift_right_arithmetic3A_132 = vector.broadcast %shift_right_arithmetic3A_131 : i32 to vector<256x1xi32>
    %shift_right_arithmetic3A_133 = arith.shrsi %xor3A_130, %shift_right_arithmetic3A_132 : vector<256x1xi32>
    %add3A_134 = arith.addi %and3A_129, %shift_right_arithmetic3A_133 : vector<256x1xi32>
    %xor3A_135 = arith.xori %select_n3A_124, %select_n3A_128 : vector<256x1xi32>
    %and3A_136 = arith.constant 1 : i32
    %and3A_137 = vector.broadcast %and3A_136 : i32 to vector<256x1xi32>
    %and3A_138 = arith.andi %xor3A_135, %and3A_137 : vector<256x1xi32>
    %add3A_139 = arith.addi %add3A_134, %and3A_138 : vector<256x1xi32>
    %ge3A_140 = vector.broadcast %add3A_139 : vector<256x1xi32> to vector<256x1664xi32>
    %ge3A_141 = arith.cmpi sge, %select_n3A, %ge3A_140 : vector<256x1664xi32>
    %convert_element_type3A_142 = arith.extui %ge3A_141 : vector<256x1664xi1> to vector<256x1664xi32>
    %reduce_sum3A_143 = arith.constant dense<0> : vector<256xi32>
    %reduce_sum3A_144 = vector.multi_reduction <add>, %convert_element_type3A_142, %reduce_sum3A_143 [1] : vector<256x1664xi32> to vector<256xi32>
    %broadcast_in_dim3A_145 = vector.shape_cast %reduce_sum3A_144 : vector<256xi32> to vector<256x1xi32>
    %ge3A_146 = arith.constant 100 : i32
    %ge3A_147 = vector.broadcast %ge3A_146 : i32 to vector<256x1xi32>
    %ge3A_148 = arith.cmpi sge, %broadcast_in_dim3A_145, %ge3A_147 : vector<256x1xi32>
    %select_n3A_149 = arith.select %ge3A_148, %add3A_139, %select_n3A_124 : vector<256x1xi1>, vector<256x1xi32>
    %sub3A_150 = arith.constant 1 : i32
    %sub3A_151 = vector.broadcast %sub3A_150 : i32 to vector<256x1xi32>
    %sub3A_152 = arith.subi %add3A_139, %sub3A_151 : vector<256x1xi32>
    %select_n3A_153 = arith.select %ge3A_148, %select_n3A_128, %sub3A_152 : vector<256x1xi1>, vector<256x1xi32>
    %and3A_154 = arith.andi %select_n3A_149, %select_n3A_153 : vector<256x1xi32>
    %xor3A_155 = arith.xori %select_n3A_149, %select_n3A_153 : vector<256x1xi32>
    %shift_right_arithmetic3A_156 = arith.constant 1 : i32
    %shift_right_arithmetic3A_157 = vector.broadcast %shift_right_arithmetic3A_156 : i32 to vector<256x1xi32>
    %shift_right_arithmetic3A_158 = arith.shrsi %xor3A_155, %shift_right_arithmetic3A_157 : vector<256x1xi32>
    %add3A_159 = arith.addi %and3A_154, %shift_right_arithmetic3A_158 : vector<256x1xi32>
    %xor3A_160 = arith.xori %select_n3A_149, %select_n3A_153 : vector<256x1xi32>
    %and3A_161 = arith.constant 1 : i32
    %and3A_162 = vector.broadcast %and3A_161 : i32 to vector<256x1xi32>
    %and3A_163 = arith.andi %xor3A_160, %and3A_162 : vector<256x1xi32>
    %add3A_164 = arith.addi %add3A_159, %and3A_163 : vector<256x1xi32>
    %ge3A_165 = vector.broadcast %add3A_164 : vector<256x1xi32> to vector<256x1664xi32>
    %ge3A_166 = arith.cmpi sge, %select_n3A, %ge3A_165 : vector<256x1664xi32>
    %convert_element_type3A_167 = arith.extui %ge3A_166 : vector<256x1664xi1> to vector<256x1664xi32>
    %reduce_sum3A_168 = arith.constant dense<0> : vector<256xi32>
    %reduce_sum3A_169 = vector.multi_reduction <add>, %convert_element_type3A_167, %reduce_sum3A_168 [1] : vector<256x1664xi32> to vector<256xi32>
    %broadcast_in_dim3A_170 = vector.shape_cast %reduce_sum3A_169 : vector<256xi32> to vector<256x1xi32>
    %ge3A_171 = arith.constant 100 : i32
    %ge3A_172 = vector.broadcast %ge3A_171 : i32 to vector<256x1xi32>
    %ge3A_173 = arith.cmpi sge, %broadcast_in_dim3A_170, %ge3A_172 : vector<256x1xi32>
    %select_n3A_174 = arith.select %ge3A_173, %add3A_164, %select_n3A_149 : vector<256x1xi1>, vector<256x1xi32>
    %sub3A_175 = arith.constant 1 : i32
    %sub3A_176 = vector.broadcast %sub3A_175 : i32 to vector<256x1xi32>
    %sub3A_177 = arith.subi %add3A_164, %sub3A_176 : vector<256x1xi32>
    %select_n3A_178 = arith.select %ge3A_173, %select_n3A_153, %sub3A_177 : vector<256x1xi1>, vector<256x1xi32>
    %and3A_179 = arith.andi %select_n3A_174, %select_n3A_178 : vector<256x1xi32>
    %xor3A_180 = arith.xori %select_n3A_174, %select_n3A_178 : vector<256x1xi32>
    %shift_right_arithmetic3A_181 = arith.constant 1 : i32
    %shift_right_arithmetic3A_182 = vector.broadcast %shift_right_arithmetic3A_181 : i32 to vector<256x1xi32>
    %shift_right_arithmetic3A_183 = arith.shrsi %xor3A_180, %shift_right_arithmetic3A_182 : vector<256x1xi32>
    %add3A_184 = arith.addi %and3A_179, %shift_right_arithmetic3A_183 : vector<256x1xi32>
    %xor3A_185 = arith.xori %select_n3A_174, %select_n3A_178 : vector<256x1xi32>
    %and3A_186 = arith.constant 1 : i32
    %and3A_187 = vector.broadcast %and3A_186 : i32 to vector<256x1xi32>
    %and3A_188 = arith.andi %xor3A_185, %and3A_187 : vector<256x1xi32>
    %add3A_189 = arith.addi %add3A_184, %and3A_188 : vector<256x1xi32>
    %ge3A_190 = vector.broadcast %add3A_189 : vector<256x1xi32> to vector<256x1664xi32>
    %ge3A_191 = arith.cmpi sge, %select_n3A, %ge3A_190 : vector<256x1664xi32>
    %convert_element_type3A_192 = arith.extui %ge3A_191 : vector<256x1664xi1> to vector<256x1664xi32>
    %reduce_sum3A_193 = arith.constant dense<0> : vector<256xi32>
    %reduce_sum3A_194 = vector.multi_reduction <add>, %convert_element_type3A_192, %reduce_sum3A_193 [1] : vector<256x1664xi32> to vector<256xi32>
    %broadcast_in_dim3A_195 = vector.shape_cast %reduce_sum3A_194 : vector<256xi32> to vector<256x1xi32>
    %ge3A_196 = arith.constant 100 : i32
    %ge3A_197 = vector.broadcast %ge3A_196 : i32 to vector<256x1xi32>
    %ge3A_198 = arith.cmpi sge, %broadcast_in_dim3A_195, %ge3A_197 : vector<256x1xi32>
    %select_n3A_199 = arith.select %ge3A_198, %add3A_189, %select_n3A_174 : vector<256x1xi1>, vector<256x1xi32>
    %sub3A_200 = arith.constant 1 : i32
    %sub3A_201 = vector.broadcast %sub3A_200 : i32 to vector<256x1xi32>
    %sub3A_202 = arith.subi %add3A_189, %sub3A_201 : vector<256x1xi32>
    %select_n3A_203 = arith.select %ge3A_198, %select_n3A_178, %sub3A_202 : vector<256x1xi1>, vector<256x1xi32>
    %and3A_204 = arith.andi %select_n3A_199, %select_n3A_203 : vector<256x1xi32>
    %xor3A_205 = arith.xori %select_n3A_199, %select_n3A_203 : vector<256x1xi32>
    %shift_right_arithmetic3A_206 = arith.constant 1 : i32
    %shift_right_arithmetic3A_207 = vector.broadcast %shift_right_arithmetic3A_206 : i32 to vector<256x1xi32>
    %shift_right_arithmetic3A_208 = arith.shrsi %xor3A_205, %shift_right_arithmetic3A_207 : vector<256x1xi32>
    %add3A_209 = arith.addi %and3A_204, %shift_right_arithmetic3A_208 : vector<256x1xi32>
    %xor3A_210 = arith.xori %select_n3A_199, %select_n3A_203 : vector<256x1xi32>
    %and3A_211 = arith.constant 1 : i32
    %and3A_212 = vector.broadcast %and3A_211 : i32 to vector<256x1xi32>
    %and3A_213 = arith.andi %xor3A_210, %and3A_212 : vector<256x1xi32>
    %add3A_214 = arith.addi %add3A_209, %and3A_213 : vector<256x1xi32>
    %ge3A_215 = vector.broadcast %add3A_214 : vector<256x1xi32> to vector<256x1664xi32>
    %ge3A_216 = arith.cmpi sge, %select_n3A, %ge3A_215 : vector<256x1664xi32>
    %convert_element_type3A_217 = arith.extui %ge3A_216 : vector<256x1664xi1> to vector<256x1664xi32>
    %reduce_sum3A_218 = arith.constant dense<0> : vector<256xi32>
    %reduce_sum3A_219 = vector.multi_reduction <add>, %convert_element_type3A_217, %reduce_sum3A_218 [1] : vector<256x1664xi32> to vector<256xi32>
    %broadcast_in_dim3A_220 = vector.shape_cast %reduce_sum3A_219 : vector<256xi32> to vector<256x1xi32>
    %ge3A_221 = arith.constant 100 : i32
    %ge3A_222 = vector.broadcast %ge3A_221 : i32 to vector<256x1xi32>
    %ge3A_223 = arith.cmpi sge, %broadcast_in_dim3A_220, %ge3A_222 : vector<256x1xi32>
    %select_n3A_224 = arith.select %ge3A_223, %add3A_214, %select_n3A_199 : vector<256x1xi1>, vector<256x1xi32>
    %sub3A_225 = arith.constant 1 : i32
    %sub3A_226 = vector.broadcast %sub3A_225 : i32 to vector<256x1xi32>
    %sub3A_227 = arith.subi %add3A_214, %sub3A_226 : vector<256x1xi32>
    %select_n3A_228 = arith.select %ge3A_223, %select_n3A_203, %sub3A_227 : vector<256x1xi1>, vector<256x1xi32>
    %and3A_229 = arith.andi %select_n3A_224, %select_n3A_228 : vector<256x1xi32>
    %xor3A_230 = arith.xori %select_n3A_224, %select_n3A_228 : vector<256x1xi32>
    %shift_right_arithmetic3A_231 = arith.constant 1 : i32
    %shift_right_arithmetic3A_232 = vector.broadcast %shift_right_arithmetic3A_231 : i32 to vector<256x1xi32>
    %shift_right_arithmetic3A_233 = arith.shrsi %xor3A_230, %shift_right_arithmetic3A_232 : vector<256x1xi32>
    %add3A_234 = arith.addi %and3A_229, %shift_right_arithmetic3A_233 : vector<256x1xi32>
    %xor3A_235 = arith.xori %select_n3A_224, %select_n3A_228 : vector<256x1xi32>
    %and3A_236 = arith.constant 1 : i32
    %and3A_237 = vector.broadcast %and3A_236 : i32 to vector<256x1xi32>
    %and3A_238 = arith.andi %xor3A_235, %and3A_237 : vector<256x1xi32>
    %add3A_239 = arith.addi %add3A_234, %and3A_238 : vector<256x1xi32>
    %ge3A_240 = vector.broadcast %add3A_239 : vector<256x1xi32> to vector<256x1664xi32>
    %ge3A_241 = arith.cmpi sge, %select_n3A, %ge3A_240 : vector<256x1664xi32>
    %convert_element_type3A_242 = arith.extui %ge3A_241 : vector<256x1664xi1> to vector<256x1664xi32>
    %reduce_sum3A_243 = arith.constant dense<0> : vector<256xi32>
    %reduce_sum3A_244 = vector.multi_reduction <add>, %convert_element_type3A_242, %reduce_sum3A_243 [1] : vector<256x1664xi32> to vector<256xi32>
    %broadcast_in_dim3A_245 = vector.shape_cast %reduce_sum3A_244 : vector<256xi32> to vector<256x1xi32>
    %ge3A_246 = arith.constant 100 : i32
    %ge3A_247 = vector.broadcast %ge3A_246 : i32 to vector<256x1xi32>
    %ge3A_248 = arith.cmpi sge, %broadcast_in_dim3A_245, %ge3A_247 : vector<256x1xi32>
    %select_n3A_249 = arith.select %ge3A_248, %add3A_239, %select_n3A_224 : vector<256x1xi1>, vector<256x1xi32>
    %sub3A_250 = arith.constant 1 : i32
    %sub3A_251 = vector.broadcast %sub3A_250 : i32 to vector<256x1xi32>
    %sub3A_252 = arith.subi %add3A_239, %sub3A_251 : vector<256x1xi32>
    %select_n3A_253 = arith.select %ge3A_248, %select_n3A_228, %sub3A_252 : vector<256x1xi1>, vector<256x1xi32>
    %and3A_254 = arith.andi %select_n3A_249, %select_n3A_253 : vector<256x1xi32>
    %xor3A_255 = arith.xori %select_n3A_249, %select_n3A_253 : vector<256x1xi32>
    %shift_right_arithmetic3A_256 = arith.constant 1 : i32
    %shift_right_arithmetic3A_257 = vector.broadcast %shift_right_arithmetic3A_256 : i32 to vector<256x1xi32>
    %shift_right_arithmetic3A_258 = arith.shrsi %xor3A_255, %shift_right_arithmetic3A_257 : vector<256x1xi32>
    %add3A_259 = arith.addi %and3A_254, %shift_right_arithmetic3A_258 : vector<256x1xi32>
    %xor3A_260 = arith.xori %select_n3A_249, %select_n3A_253 : vector<256x1xi32>
    %and3A_261 = arith.constant 1 : i32
    %and3A_262 = vector.broadcast %and3A_261 : i32 to vector<256x1xi32>
    %and3A_263 = arith.andi %xor3A_260, %and3A_262 : vector<256x1xi32>
    %add3A_264 = arith.addi %add3A_259, %and3A_263 : vector<256x1xi32>
    %ge3A_265 = vector.broadcast %add3A_264 : vector<256x1xi32> to vector<256x1664xi32>
    %ge3A_266 = arith.cmpi sge, %select_n3A, %ge3A_265 : vector<256x1664xi32>
    %convert_element_type3A_267 = arith.extui %ge3A_266 : vector<256x1664xi1> to vector<256x1664xi32>
    %reduce_sum3A_268 = arith.constant dense<0> : vector<256xi32>
    %reduce_sum3A_269 = vector.multi_reduction <add>, %convert_element_type3A_267, %reduce_sum3A_268 [1] : vector<256x1664xi32> to vector<256xi32>
    %broadcast_in_dim3A_270 = vector.shape_cast %reduce_sum3A_269 : vector<256xi32> to vector<256x1xi32>
    %ge3A_271 = arith.constant 100 : i32
    %ge3A_272 = vector.broadcast %ge3A_271 : i32 to vector<256x1xi32>
    %ge3A_273 = arith.cmpi sge, %broadcast_in_dim3A_270, %ge3A_272 : vector<256x1xi32>
    %select_n3A_274 = arith.select %ge3A_273, %add3A_264, %select_n3A_249 : vector<256x1xi1>, vector<256x1xi32>
    %sub3A_275 = arith.constant 1 : i32
    %sub3A_276 = vector.broadcast %sub3A_275 : i32 to vector<256x1xi32>
    %sub3A_277 = arith.subi %add3A_264, %sub3A_276 : vector<256x1xi32>
    %select_n3A_278 = arith.select %ge3A_273, %select_n3A_253, %sub3A_277 : vector<256x1xi1>, vector<256x1xi32>
    %and3A_279 = arith.andi %select_n3A_274, %select_n3A_278 : vector<256x1xi32>
    %xor3A_280 = arith.xori %select_n3A_274, %select_n3A_278 : vector<256x1xi32>
    %shift_right_arithmetic3A_281 = arith.constant 1 : i32
    %shift_right_arithmetic3A_282 = vector.broadcast %shift_right_arithmetic3A_281 : i32 to vector<256x1xi32>
    %shift_right_arithmetic3A_283 = arith.shrsi %xor3A_280, %shift_right_arithmetic3A_282 : vector<256x1xi32>
    %add3A_284 = arith.addi %and3A_279, %shift_right_arithmetic3A_283 : vector<256x1xi32>
    %xor3A_285 = arith.xori %select_n3A_274, %select_n3A_278 : vector<256x1xi32>
    %and3A_286 = arith.constant 1 : i32
    %and3A_287 = vector.broadcast %and3A_286 : i32 to vector<256x1xi32>
    %and3A_288 = arith.andi %xor3A_285, %and3A_287 : vector<256x1xi32>
    %add3A_289 = arith.addi %add3A_284, %and3A_288 : vector<256x1xi32>
    %ge3A_290 = vector.broadcast %add3A_289 : vector<256x1xi32> to vector<256x1664xi32>
    %ge3A_291 = arith.cmpi sge, %select_n3A, %ge3A_290 : vector<256x1664xi32>
    %convert_element_type3A_292 = arith.extui %ge3A_291 : vector<256x1664xi1> to vector<256x1664xi32>
    %reduce_sum3A_293 = arith.constant dense<0> : vector<256xi32>
    %reduce_sum3A_294 = vector.multi_reduction <add>, %convert_element_type3A_292, %reduce_sum3A_293 [1] : vector<256x1664xi32> to vector<256xi32>
    %broadcast_in_dim3A_295 = vector.shape_cast %reduce_sum3A_294 : vector<256xi32> to vector<256x1xi32>
    %ge3A_296 = arith.constant 100 : i32
    %ge3A_297 = vector.broadcast %ge3A_296 : i32 to vector<256x1xi32>
    %ge3A_298 = arith.cmpi sge, %broadcast_in_dim3A_295, %ge3A_297 : vector<256x1xi32>
    %select_n3A_299 = arith.select %ge3A_298, %add3A_289, %select_n3A_274 : vector<256x1xi1>, vector<256x1xi32>
    %sub3A_300 = arith.constant 1 : i32
    %sub3A_301 = vector.broadcast %sub3A_300 : i32 to vector<256x1xi32>
    %sub3A_302 = arith.subi %add3A_289, %sub3A_301 : vector<256x1xi32>
    %select_n3A_303 = arith.select %ge3A_298, %select_n3A_278, %sub3A_302 : vector<256x1xi1>, vector<256x1xi32>
    %and3A_304 = arith.andi %select_n3A_299, %select_n3A_303 : vector<256x1xi32>
    %xor3A_305 = arith.xori %select_n3A_299, %select_n3A_303 : vector<256x1xi32>
    %shift_right_arithmetic3A_306 = arith.constant 1 : i32
    %shift_right_arithmetic3A_307 = vector.broadcast %shift_right_arithmetic3A_306 : i32 to vector<256x1xi32>
    %shift_right_arithmetic3A_308 = arith.shrsi %xor3A_305, %shift_right_arithmetic3A_307 : vector<256x1xi32>
    %add3A_309 = arith.addi %and3A_304, %shift_right_arithmetic3A_308 : vector<256x1xi32>
    %xor3A_310 = arith.xori %select_n3A_299, %select_n3A_303 : vector<256x1xi32>
    %and3A_311 = arith.constant 1 : i32
    %and3A_312 = vector.broadcast %and3A_311 : i32 to vector<256x1xi32>
    %and3A_313 = arith.andi %xor3A_310, %and3A_312 : vector<256x1xi32>
    %add3A_314 = arith.addi %add3A_309, %and3A_313 : vector<256x1xi32>
    %ge3A_315 = vector.broadcast %add3A_314 : vector<256x1xi32> to vector<256x1664xi32>
    %ge3A_316 = arith.cmpi sge, %select_n3A, %ge3A_315 : vector<256x1664xi32>
    %convert_element_type3A_317 = arith.extui %ge3A_316 : vector<256x1664xi1> to vector<256x1664xi32>
    %reduce_sum3A_318 = arith.constant dense<0> : vector<256xi32>
    %reduce_sum3A_319 = vector.multi_reduction <add>, %convert_element_type3A_317, %reduce_sum3A_318 [1] : vector<256x1664xi32> to vector<256xi32>
    %broadcast_in_dim3A_320 = vector.shape_cast %reduce_sum3A_319 : vector<256xi32> to vector<256x1xi32>
    %ge3A_321 = arith.constant 100 : i32
    %ge3A_322 = vector.broadcast %ge3A_321 : i32 to vector<256x1xi32>
    %ge3A_323 = arith.cmpi sge, %broadcast_in_dim3A_320, %ge3A_322 : vector<256x1xi32>
    %select_n3A_324 = arith.select %ge3A_323, %add3A_314, %select_n3A_299 : vector<256x1xi1>, vector<256x1xi32>
    %sub3A_325 = arith.constant 1 : i32
    %sub3A_326 = vector.broadcast %sub3A_325 : i32 to vector<256x1xi32>
    %sub3A_327 = arith.subi %add3A_314, %sub3A_326 : vector<256x1xi32>
    %select_n3A_328 = arith.select %ge3A_323, %select_n3A_303, %sub3A_327 : vector<256x1xi1>, vector<256x1xi32>
    %and3A_329 = arith.andi %select_n3A_324, %select_n3A_328 : vector<256x1xi32>
    %xor3A_330 = arith.xori %select_n3A_324, %select_n3A_328 : vector<256x1xi32>
    %shift_right_arithmetic3A_331 = arith.constant 1 : i32
    %shift_right_arithmetic3A_332 = vector.broadcast %shift_right_arithmetic3A_331 : i32 to vector<256x1xi32>
    %shift_right_arithmetic3A_333 = arith.shrsi %xor3A_330, %shift_right_arithmetic3A_332 : vector<256x1xi32>
    %add3A_334 = arith.addi %and3A_329, %shift_right_arithmetic3A_333 : vector<256x1xi32>
    %xor3A_335 = arith.xori %select_n3A_324, %select_n3A_328 : vector<256x1xi32>
    %and3A_336 = arith.constant 1 : i32
    %and3A_337 = vector.broadcast %and3A_336 : i32 to vector<256x1xi32>
    %and3A_338 = arith.andi %xor3A_335, %and3A_337 : vector<256x1xi32>
    %add3A_339 = arith.addi %add3A_334, %and3A_338 : vector<256x1xi32>
    %ge3A_340 = vector.broadcast %add3A_339 : vector<256x1xi32> to vector<256x1664xi32>
    %ge3A_341 = arith.cmpi sge, %select_n3A, %ge3A_340 : vector<256x1664xi32>
    %convert_element_type3A_342 = arith.extui %ge3A_341 : vector<256x1664xi1> to vector<256x1664xi32>
    %reduce_sum3A_343 = arith.constant dense<0> : vector<256xi32>
    %reduce_sum3A_344 = vector.multi_reduction <add>, %convert_element_type3A_342, %reduce_sum3A_343 [1] : vector<256x1664xi32> to vector<256xi32>
    %broadcast_in_dim3A_345 = vector.shape_cast %reduce_sum3A_344 : vector<256xi32> to vector<256x1xi32>
    %ge3A_346 = arith.constant 100 : i32
    %ge3A_347 = vector.broadcast %ge3A_346 : i32 to vector<256x1xi32>
    %ge3A_348 = arith.cmpi sge, %broadcast_in_dim3A_345, %ge3A_347 : vector<256x1xi32>
    %select_n3A_349 = arith.select %ge3A_348, %add3A_339, %select_n3A_324 : vector<256x1xi1>, vector<256x1xi32>
    %sub3A_350 = arith.constant 1 : i32
    %sub3A_351 = vector.broadcast %sub3A_350 : i32 to vector<256x1xi32>
    %sub3A_352 = arith.subi %add3A_339, %sub3A_351 : vector<256x1xi32>
    %select_n3A_353 = arith.select %ge3A_348, %select_n3A_328, %sub3A_352 : vector<256x1xi1>, vector<256x1xi32>
    %and3A_354 = arith.andi %select_n3A_349, %select_n3A_353 : vector<256x1xi32>
    %xor3A_355 = arith.xori %select_n3A_349, %select_n3A_353 : vector<256x1xi32>
    %shift_right_arithmetic3A_356 = arith.constant 1 : i32
    %shift_right_arithmetic3A_357 = vector.broadcast %shift_right_arithmetic3A_356 : i32 to vector<256x1xi32>
    %shift_right_arithmetic3A_358 = arith.shrsi %xor3A_355, %shift_right_arithmetic3A_357 : vector<256x1xi32>
    %add3A_359 = arith.addi %and3A_354, %shift_right_arithmetic3A_358 : vector<256x1xi32>
    %xor3A_360 = arith.xori %select_n3A_349, %select_n3A_353 : vector<256x1xi32>
    %and3A_361 = arith.constant 1 : i32
    %and3A_362 = vector.broadcast %and3A_361 : i32 to vector<256x1xi32>
    %and3A_363 = arith.andi %xor3A_360, %and3A_362 : vector<256x1xi32>
    %add3A_364 = arith.addi %add3A_359, %and3A_363 : vector<256x1xi32>
    %ge3A_365 = vector.broadcast %add3A_364 : vector<256x1xi32> to vector<256x1664xi32>
    %ge3A_366 = arith.cmpi sge, %select_n3A, %ge3A_365 : vector<256x1664xi32>
    %convert_element_type3A_367 = arith.extui %ge3A_366 : vector<256x1664xi1> to vector<256x1664xi32>
    %reduce_sum3A_368 = arith.constant dense<0> : vector<256xi32>
    %reduce_sum3A_369 = vector.multi_reduction <add>, %convert_element_type3A_367, %reduce_sum3A_368 [1] : vector<256x1664xi32> to vector<256xi32>
    %broadcast_in_dim3A_370 = vector.shape_cast %reduce_sum3A_369 : vector<256xi32> to vector<256x1xi32>
    %ge3A_371 = arith.constant 100 : i32
    %ge3A_372 = vector.broadcast %ge3A_371 : i32 to vector<256x1xi32>
    %ge3A_373 = arith.cmpi sge, %broadcast_in_dim3A_370, %ge3A_372 : vector<256x1xi32>
    %select_n3A_374 = arith.select %ge3A_373, %add3A_364, %select_n3A_349 : vector<256x1xi1>, vector<256x1xi32>
    %sub3A_375 = arith.constant 1 : i32
    %sub3A_376 = vector.broadcast %sub3A_375 : i32 to vector<256x1xi32>
    %sub3A_377 = arith.subi %add3A_364, %sub3A_376 : vector<256x1xi32>
    %select_n3A_378 = arith.select %ge3A_373, %select_n3A_353, %sub3A_377 : vector<256x1xi1>, vector<256x1xi32>
    %and3A_379 = arith.andi %select_n3A_374, %select_n3A_378 : vector<256x1xi32>
    %xor3A_380 = arith.xori %select_n3A_374, %select_n3A_378 : vector<256x1xi32>
    %shift_right_arithmetic3A_381 = arith.constant 1 : i32
    %shift_right_arithmetic3A_382 = vector.broadcast %shift_right_arithmetic3A_381 : i32 to vector<256x1xi32>
    %shift_right_arithmetic3A_383 = arith.shrsi %xor3A_380, %shift_right_arithmetic3A_382 : vector<256x1xi32>
    %add3A_384 = arith.addi %and3A_379, %shift_right_arithmetic3A_383 : vector<256x1xi32>
    %xor3A_385 = arith.xori %select_n3A_374, %select_n3A_378 : vector<256x1xi32>
    %and3A_386 = arith.constant 1 : i32
    %and3A_387 = vector.broadcast %and3A_386 : i32 to vector<256x1xi32>
    %and3A_388 = arith.andi %xor3A_385, %and3A_387 : vector<256x1xi32>
    %add3A_389 = arith.addi %add3A_384, %and3A_388 : vector<256x1xi32>
    %ge3A_390 = vector.broadcast %add3A_389 : vector<256x1xi32> to vector<256x1664xi32>
    %ge3A_391 = arith.cmpi sge, %select_n3A, %ge3A_390 : vector<256x1664xi32>
    %convert_element_type3A_392 = arith.extui %ge3A_391 : vector<256x1664xi1> to vector<256x1664xi32>
    %reduce_sum3A_393 = arith.constant dense<0> : vector<256xi32>
    %reduce_sum3A_394 = vector.multi_reduction <add>, %convert_element_type3A_392, %reduce_sum3A_393 [1] : vector<256x1664xi32> to vector<256xi32>
    %broadcast_in_dim3A_395 = vector.shape_cast %reduce_sum3A_394 : vector<256xi32> to vector<256x1xi32>
    %ge3A_396 = arith.constant 100 : i32
    %ge3A_397 = vector.broadcast %ge3A_396 : i32 to vector<256x1xi32>
    %ge3A_398 = arith.cmpi sge, %broadcast_in_dim3A_395, %ge3A_397 : vector<256x1xi32>
    %select_n3A_399 = arith.select %ge3A_398, %add3A_389, %select_n3A_374 : vector<256x1xi1>, vector<256x1xi32>
    %sub3A_400 = arith.constant 1 : i32
    %sub3A_401 = vector.broadcast %sub3A_400 : i32 to vector<256x1xi32>
    %sub3A_402 = arith.subi %add3A_389, %sub3A_401 : vector<256x1xi32>
    %select_n3A_403 = arith.select %ge3A_398, %select_n3A_378, %sub3A_402 : vector<256x1xi1>, vector<256x1xi32>
    %and3A_404 = arith.andi %select_n3A_399, %select_n3A_403 : vector<256x1xi32>
    %xor3A_405 = arith.xori %select_n3A_399, %select_n3A_403 : vector<256x1xi32>
    %shift_right_arithmetic3A_406 = arith.constant 1 : i32
    %shift_right_arithmetic3A_407 = vector.broadcast %shift_right_arithmetic3A_406 : i32 to vector<256x1xi32>
    %shift_right_arithmetic3A_408 = arith.shrsi %xor3A_405, %shift_right_arithmetic3A_407 : vector<256x1xi32>
    %add3A_409 = arith.addi %and3A_404, %shift_right_arithmetic3A_408 : vector<256x1xi32>
    %xor3A_410 = arith.xori %select_n3A_399, %select_n3A_403 : vector<256x1xi32>
    %and3A_411 = arith.constant 1 : i32
    %and3A_412 = vector.broadcast %and3A_411 : i32 to vector<256x1xi32>
    %and3A_413 = arith.andi %xor3A_410, %and3A_412 : vector<256x1xi32>
    %add3A_414 = arith.addi %add3A_409, %and3A_413 : vector<256x1xi32>
    %ge3A_415 = vector.broadcast %add3A_414 : vector<256x1xi32> to vector<256x1664xi32>
    %ge3A_416 = arith.cmpi sge, %select_n3A, %ge3A_415 : vector<256x1664xi32>
    %convert_element_type3A_417 = arith.extui %ge3A_416 : vector<256x1664xi1> to vector<256x1664xi32>
    %reduce_sum3A_418 = arith.constant dense<0> : vector<256xi32>
    %reduce_sum3A_419 = vector.multi_reduction <add>, %convert_element_type3A_417, %reduce_sum3A_418 [1] : vector<256x1664xi32> to vector<256xi32>
    %broadcast_in_dim3A_420 = vector.shape_cast %reduce_sum3A_419 : vector<256xi32> to vector<256x1xi32>
    %ge3A_421 = arith.constant 100 : i32
    %ge3A_422 = vector.broadcast %ge3A_421 : i32 to vector<256x1xi32>
    %ge3A_423 = arith.cmpi sge, %broadcast_in_dim3A_420, %ge3A_422 : vector<256x1xi32>
    %select_n3A_424 = arith.select %ge3A_423, %add3A_414, %select_n3A_399 : vector<256x1xi1>, vector<256x1xi32>
    %sub3A_425 = arith.constant 1 : i32
    %sub3A_426 = vector.broadcast %sub3A_425 : i32 to vector<256x1xi32>
    %sub3A_427 = arith.subi %add3A_414, %sub3A_426 : vector<256x1xi32>
    %select_n3A_428 = arith.select %ge3A_423, %select_n3A_403, %sub3A_427 : vector<256x1xi1>, vector<256x1xi32>
    %and3A_429 = arith.andi %select_n3A_424, %select_n3A_428 : vector<256x1xi32>
    %xor3A_430 = arith.xori %select_n3A_424, %select_n3A_428 : vector<256x1xi32>
    %shift_right_arithmetic3A_431 = arith.constant 1 : i32
    %shift_right_arithmetic3A_432 = vector.broadcast %shift_right_arithmetic3A_431 : i32 to vector<256x1xi32>
    %shift_right_arithmetic3A_433 = arith.shrsi %xor3A_430, %shift_right_arithmetic3A_432 : vector<256x1xi32>
    %add3A_434 = arith.addi %and3A_429, %shift_right_arithmetic3A_433 : vector<256x1xi32>
    %xor3A_435 = arith.xori %select_n3A_424, %select_n3A_428 : vector<256x1xi32>
    %and3A_436 = arith.constant 1 : i32
    %and3A_437 = vector.broadcast %and3A_436 : i32 to vector<256x1xi32>
    %and3A_438 = arith.andi %xor3A_435, %and3A_437 : vector<256x1xi32>
    %add3A_439 = arith.addi %add3A_434, %and3A_438 : vector<256x1xi32>
    %ge3A_440 = vector.broadcast %add3A_439 : vector<256x1xi32> to vector<256x1664xi32>
    %ge3A_441 = arith.cmpi sge, %select_n3A, %ge3A_440 : vector<256x1664xi32>
    %convert_element_type3A_442 = arith.extui %ge3A_441 : vector<256x1664xi1> to vector<256x1664xi32>
    %reduce_sum3A_443 = arith.constant dense<0> : vector<256xi32>
    %reduce_sum3A_444 = vector.multi_reduction <add>, %convert_element_type3A_442, %reduce_sum3A_443 [1] : vector<256x1664xi32> to vector<256xi32>
    %broadcast_in_dim3A_445 = vector.shape_cast %reduce_sum3A_444 : vector<256xi32> to vector<256x1xi32>
    %ge3A_446 = arith.constant 100 : i32
    %ge3A_447 = vector.broadcast %ge3A_446 : i32 to vector<256x1xi32>
    %ge3A_448 = arith.cmpi sge, %broadcast_in_dim3A_445, %ge3A_447 : vector<256x1xi32>
    %select_n3A_449 = arith.select %ge3A_448, %add3A_439, %select_n3A_424 : vector<256x1xi1>, vector<256x1xi32>
    %sub3A_450 = arith.constant 1 : i32
    %sub3A_451 = vector.broadcast %sub3A_450 : i32 to vector<256x1xi32>
    %sub3A_452 = arith.subi %add3A_439, %sub3A_451 : vector<256x1xi32>
    %select_n3A_453 = arith.select %ge3A_448, %select_n3A_428, %sub3A_452 : vector<256x1xi1>, vector<256x1xi32>
    %and3A_454 = arith.andi %select_n3A_449, %select_n3A_453 : vector<256x1xi32>
    %xor3A_455 = arith.xori %select_n3A_449, %select_n3A_453 : vector<256x1xi32>
    %shift_right_arithmetic3A_456 = arith.constant 1 : i32
    %shift_right_arithmetic3A_457 = vector.broadcast %shift_right_arithmetic3A_456 : i32 to vector<256x1xi32>
    %shift_right_arithmetic3A_458 = arith.shrsi %xor3A_455, %shift_right_arithmetic3A_457 : vector<256x1xi32>
    %add3A_459 = arith.addi %and3A_454, %shift_right_arithmetic3A_458 : vector<256x1xi32>
    %xor3A_460 = arith.xori %select_n3A_449, %select_n3A_453 : vector<256x1xi32>
    %and3A_461 = arith.constant 1 : i32
    %and3A_462 = vector.broadcast %and3A_461 : i32 to vector<256x1xi32>
    %and3A_463 = arith.andi %xor3A_460, %and3A_462 : vector<256x1xi32>
    %add3A_464 = arith.addi %add3A_459, %and3A_463 : vector<256x1xi32>
    %ge3A_465 = vector.broadcast %add3A_464 : vector<256x1xi32> to vector<256x1664xi32>
    %ge3A_466 = arith.cmpi sge, %select_n3A, %ge3A_465 : vector<256x1664xi32>
    %convert_element_type3A_467 = arith.extui %ge3A_466 : vector<256x1664xi1> to vector<256x1664xi32>
    %reduce_sum3A_468 = arith.constant dense<0> : vector<256xi32>
    %reduce_sum3A_469 = vector.multi_reduction <add>, %convert_element_type3A_467, %reduce_sum3A_468 [1] : vector<256x1664xi32> to vector<256xi32>
    %broadcast_in_dim3A_470 = vector.shape_cast %reduce_sum3A_469 : vector<256xi32> to vector<256x1xi32>
    %ge3A_471 = arith.constant 100 : i32
    %ge3A_472 = vector.broadcast %ge3A_471 : i32 to vector<256x1xi32>
    %ge3A_473 = arith.cmpi sge, %broadcast_in_dim3A_470, %ge3A_472 : vector<256x1xi32>
    %select_n3A_474 = arith.select %ge3A_473, %add3A_464, %select_n3A_449 : vector<256x1xi1>, vector<256x1xi32>
    %sub3A_475 = arith.constant 1 : i32
    %sub3A_476 = vector.broadcast %sub3A_475 : i32 to vector<256x1xi32>
    %sub3A_477 = arith.subi %add3A_464, %sub3A_476 : vector<256x1xi32>
    %select_n3A_478 = arith.select %ge3A_473, %select_n3A_453, %sub3A_477 : vector<256x1xi1>, vector<256x1xi32>
    %and3A_479 = arith.andi %select_n3A_474, %select_n3A_478 : vector<256x1xi32>
    %xor3A_480 = arith.xori %select_n3A_474, %select_n3A_478 : vector<256x1xi32>
    %shift_right_arithmetic3A_481 = arith.constant 1 : i32
    %shift_right_arithmetic3A_482 = vector.broadcast %shift_right_arithmetic3A_481 : i32 to vector<256x1xi32>
    %shift_right_arithmetic3A_483 = arith.shrsi %xor3A_480, %shift_right_arithmetic3A_482 : vector<256x1xi32>
    %add3A_484 = arith.addi %and3A_479, %shift_right_arithmetic3A_483 : vector<256x1xi32>
    %xor3A_485 = arith.xori %select_n3A_474, %select_n3A_478 : vector<256x1xi32>
    %and3A_486 = arith.constant 1 : i32
    %and3A_487 = vector.broadcast %and3A_486 : i32 to vector<256x1xi32>
    %and3A_488 = arith.andi %xor3A_485, %and3A_487 : vector<256x1xi32>
    %add3A_489 = arith.addi %add3A_484, %and3A_488 : vector<256x1xi32>
    %ge3A_490 = vector.broadcast %add3A_489 : vector<256x1xi32> to vector<256x1664xi32>
    %ge3A_491 = arith.cmpi sge, %select_n3A, %ge3A_490 : vector<256x1664xi32>
    %convert_element_type3A_492 = arith.extui %ge3A_491 : vector<256x1664xi1> to vector<256x1664xi32>
    %reduce_sum3A_493 = arith.constant dense<0> : vector<256xi32>
    %reduce_sum3A_494 = vector.multi_reduction <add>, %convert_element_type3A_492, %reduce_sum3A_493 [1] : vector<256x1664xi32> to vector<256xi32>
    %broadcast_in_dim3A_495 = vector.shape_cast %reduce_sum3A_494 : vector<256xi32> to vector<256x1xi32>
    %ge3A_496 = arith.constant 100 : i32
    %ge3A_497 = vector.broadcast %ge3A_496 : i32 to vector<256x1xi32>
    %ge3A_498 = arith.cmpi sge, %broadcast_in_dim3A_495, %ge3A_497 : vector<256x1xi32>
    %select_n3A_499 = arith.select %ge3A_498, %add3A_489, %select_n3A_474 : vector<256x1xi1>, vector<256x1xi32>
    %sub3A_500 = arith.constant 1 : i32
    %sub3A_501 = vector.broadcast %sub3A_500 : i32 to vector<256x1xi32>
    %sub3A_502 = arith.subi %add3A_489, %sub3A_501 : vector<256x1xi32>
    %select_n3A_503 = arith.select %ge3A_498, %select_n3A_478, %sub3A_502 : vector<256x1xi1>, vector<256x1xi32>
    %and3A_504 = arith.andi %select_n3A_499, %select_n3A_503 : vector<256x1xi32>
    %xor3A_505 = arith.xori %select_n3A_499, %select_n3A_503 : vector<256x1xi32>
    %shift_right_arithmetic3A_506 = arith.constant 1 : i32
    %shift_right_arithmetic3A_507 = vector.broadcast %shift_right_arithmetic3A_506 : i32 to vector<256x1xi32>
    %shift_right_arithmetic3A_508 = arith.shrsi %xor3A_505, %shift_right_arithmetic3A_507 : vector<256x1xi32>
    %add3A_509 = arith.addi %and3A_504, %shift_right_arithmetic3A_508 : vector<256x1xi32>
    %xor3A_510 = arith.xori %select_n3A_499, %select_n3A_503 : vector<256x1xi32>
    %and3A_511 = arith.constant 1 : i32
    %and3A_512 = vector.broadcast %and3A_511 : i32 to vector<256x1xi32>
    %and3A_513 = arith.andi %xor3A_510, %and3A_512 : vector<256x1xi32>
    %add3A_514 = arith.addi %add3A_509, %and3A_513 : vector<256x1xi32>
    %ge3A_515 = vector.broadcast %add3A_514 : vector<256x1xi32> to vector<256x1664xi32>
    %ge3A_516 = arith.cmpi sge, %select_n3A, %ge3A_515 : vector<256x1664xi32>
    %convert_element_type3A_517 = arith.extui %ge3A_516 : vector<256x1664xi1> to vector<256x1664xi32>
    %reduce_sum3A_518 = arith.constant dense<0> : vector<256xi32>
    %reduce_sum3A_519 = vector.multi_reduction <add>, %convert_element_type3A_517, %reduce_sum3A_518 [1] : vector<256x1664xi32> to vector<256xi32>
    %broadcast_in_dim3A_520 = vector.shape_cast %reduce_sum3A_519 : vector<256xi32> to vector<256x1xi32>
    %ge3A_521 = arith.constant 100 : i32
    %ge3A_522 = vector.broadcast %ge3A_521 : i32 to vector<256x1xi32>
    %ge3A_523 = arith.cmpi sge, %broadcast_in_dim3A_520, %ge3A_522 : vector<256x1xi32>
    %select_n3A_524 = arith.select %ge3A_523, %add3A_514, %select_n3A_499 : vector<256x1xi1>, vector<256x1xi32>
    %sub3A_525 = arith.constant 1 : i32
    %sub3A_526 = vector.broadcast %sub3A_525 : i32 to vector<256x1xi32>
    %sub3A_527 = arith.subi %add3A_514, %sub3A_526 : vector<256x1xi32>
    %select_n3A_528 = arith.select %ge3A_523, %select_n3A_503, %sub3A_527 : vector<256x1xi1>, vector<256x1xi32>
    %and3A_529 = arith.andi %select_n3A_524, %select_n3A_528 : vector<256x1xi32>
    %xor3A_530 = arith.xori %select_n3A_524, %select_n3A_528 : vector<256x1xi32>
    %shift_right_arithmetic3A_531 = arith.constant 1 : i32
    %shift_right_arithmetic3A_532 = vector.broadcast %shift_right_arithmetic3A_531 : i32 to vector<256x1xi32>
    %shift_right_arithmetic3A_533 = arith.shrsi %xor3A_530, %shift_right_arithmetic3A_532 : vector<256x1xi32>
    %add3A_534 = arith.addi %and3A_529, %shift_right_arithmetic3A_533 : vector<256x1xi32>
    %xor3A_535 = arith.xori %select_n3A_524, %select_n3A_528 : vector<256x1xi32>
    %and3A_536 = arith.constant 1 : i32
    %and3A_537 = vector.broadcast %and3A_536 : i32 to vector<256x1xi32>
    %and3A_538 = arith.andi %xor3A_535, %and3A_537 : vector<256x1xi32>
    %add3A_539 = arith.addi %add3A_534, %and3A_538 : vector<256x1xi32>
    %ge3A_540 = vector.broadcast %add3A_539 : vector<256x1xi32> to vector<256x1664xi32>
    %ge3A_541 = arith.cmpi sge, %select_n3A, %ge3A_540 : vector<256x1664xi32>
    %convert_element_type3A_542 = arith.extui %ge3A_541 : vector<256x1664xi1> to vector<256x1664xi32>
    %reduce_sum3A_543 = arith.constant dense<0> : vector<256xi32>
    %reduce_sum3A_544 = vector.multi_reduction <add>, %convert_element_type3A_542, %reduce_sum3A_543 [1] : vector<256x1664xi32> to vector<256xi32>
    %broadcast_in_dim3A_545 = vector.shape_cast %reduce_sum3A_544 : vector<256xi32> to vector<256x1xi32>
    %ge3A_546 = arith.constant 100 : i32
    %ge3A_547 = vector.broadcast %ge3A_546 : i32 to vector<256x1xi32>
    %ge3A_548 = arith.cmpi sge, %broadcast_in_dim3A_545, %ge3A_547 : vector<256x1xi32>
    %select_n3A_549 = arith.select %ge3A_548, %add3A_539, %select_n3A_524 : vector<256x1xi1>, vector<256x1xi32>
    %sub3A_550 = arith.constant 1 : i32
    %sub3A_551 = vector.broadcast %sub3A_550 : i32 to vector<256x1xi32>
    %sub3A_552 = arith.subi %add3A_539, %sub3A_551 : vector<256x1xi32>
    %select_n3A_553 = arith.select %ge3A_548, %select_n3A_528, %sub3A_552 : vector<256x1xi1>, vector<256x1xi32>
    %and3A_554 = arith.andi %select_n3A_549, %select_n3A_553 : vector<256x1xi32>
    %xor3A_555 = arith.xori %select_n3A_549, %select_n3A_553 : vector<256x1xi32>
    %shift_right_arithmetic3A_556 = arith.constant 1 : i32
    %shift_right_arithmetic3A_557 = vector.broadcast %shift_right_arithmetic3A_556 : i32 to vector<256x1xi32>
    %shift_right_arithmetic3A_558 = arith.shrsi %xor3A_555, %shift_right_arithmetic3A_557 : vector<256x1xi32>
    %add3A_559 = arith.addi %and3A_554, %shift_right_arithmetic3A_558 : vector<256x1xi32>
    %xor3A_560 = arith.xori %select_n3A_549, %select_n3A_553 : vector<256x1xi32>
    %and3A_561 = arith.constant 1 : i32
    %and3A_562 = vector.broadcast %and3A_561 : i32 to vector<256x1xi32>
    %and3A_563 = arith.andi %xor3A_560, %and3A_562 : vector<256x1xi32>
    %add3A_564 = arith.addi %add3A_559, %and3A_563 : vector<256x1xi32>
    %ge3A_565 = vector.broadcast %add3A_564 : vector<256x1xi32> to vector<256x1664xi32>
    %ge3A_566 = arith.cmpi sge, %select_n3A, %ge3A_565 : vector<256x1664xi32>
    %convert_element_type3A_567 = arith.extui %ge3A_566 : vector<256x1664xi1> to vector<256x1664xi32>
    %reduce_sum3A_568 = arith.constant dense<0> : vector<256xi32>
    %reduce_sum3A_569 = vector.multi_reduction <add>, %convert_element_type3A_567, %reduce_sum3A_568 [1] : vector<256x1664xi32> to vector<256xi32>
    %broadcast_in_dim3A_570 = vector.shape_cast %reduce_sum3A_569 : vector<256xi32> to vector<256x1xi32>
    %ge3A_571 = arith.constant 100 : i32
    %ge3A_572 = vector.broadcast %ge3A_571 : i32 to vector<256x1xi32>
    %ge3A_573 = arith.cmpi sge, %broadcast_in_dim3A_570, %ge3A_572 : vector<256x1xi32>
    %select_n3A_574 = arith.select %ge3A_573, %add3A_564, %select_n3A_549 : vector<256x1xi1>, vector<256x1xi32>
    %sub3A_575 = arith.constant 1 : i32
    %sub3A_576 = vector.broadcast %sub3A_575 : i32 to vector<256x1xi32>
    %sub3A_577 = arith.subi %add3A_564, %sub3A_576 : vector<256x1xi32>
    %select_n3A_578 = arith.select %ge3A_573, %select_n3A_553, %sub3A_577 : vector<256x1xi1>, vector<256x1xi32>
    %and3A_579 = arith.andi %select_n3A_574, %select_n3A_578 : vector<256x1xi32>
    %xor3A_580 = arith.xori %select_n3A_574, %select_n3A_578 : vector<256x1xi32>
    %shift_right_arithmetic3A_581 = arith.constant 1 : i32
    %shift_right_arithmetic3A_582 = vector.broadcast %shift_right_arithmetic3A_581 : i32 to vector<256x1xi32>
    %shift_right_arithmetic3A_583 = arith.shrsi %xor3A_580, %shift_right_arithmetic3A_582 : vector<256x1xi32>
    %add3A_584 = arith.addi %and3A_579, %shift_right_arithmetic3A_583 : vector<256x1xi32>
    %xor3A_585 = arith.xori %select_n3A_574, %select_n3A_578 : vector<256x1xi32>
    %and3A_586 = arith.constant 1 : i32
    %and3A_587 = vector.broadcast %and3A_586 : i32 to vector<256x1xi32>
    %and3A_588 = arith.andi %xor3A_585, %and3A_587 : vector<256x1xi32>
    %add3A_589 = arith.addi %add3A_584, %and3A_588 : vector<256x1xi32>
    %ge3A_590 = vector.broadcast %add3A_589 : vector<256x1xi32> to vector<256x1664xi32>
    %ge3A_591 = arith.cmpi sge, %select_n3A, %ge3A_590 : vector<256x1664xi32>
    %convert_element_type3A_592 = arith.extui %ge3A_591 : vector<256x1664xi1> to vector<256x1664xi32>
    %reduce_sum3A_593 = arith.constant dense<0> : vector<256xi32>
    %reduce_sum3A_594 = vector.multi_reduction <add>, %convert_element_type3A_592, %reduce_sum3A_593 [1] : vector<256x1664xi32> to vector<256xi32>
    %broadcast_in_dim3A_595 = vector.shape_cast %reduce_sum3A_594 : vector<256xi32> to vector<256x1xi32>
    %ge3A_596 = arith.constant 100 : i32
    %ge3A_597 = vector.broadcast %ge3A_596 : i32 to vector<256x1xi32>
    %ge3A_598 = arith.cmpi sge, %broadcast_in_dim3A_595, %ge3A_597 : vector<256x1xi32>
    %select_n3A_599 = arith.select %ge3A_598, %add3A_589, %select_n3A_574 : vector<256x1xi1>, vector<256x1xi32>
    %sub3A_600 = arith.constant 1 : i32
    %sub3A_601 = vector.broadcast %sub3A_600 : i32 to vector<256x1xi32>
    %sub3A_602 = arith.subi %add3A_589, %sub3A_601 : vector<256x1xi32>
    %select_n3A_603 = arith.select %ge3A_598, %select_n3A_578, %sub3A_602 : vector<256x1xi1>, vector<256x1xi32>
    %and3A_604 = arith.andi %select_n3A_599, %select_n3A_603 : vector<256x1xi32>
    %xor3A_605 = arith.xori %select_n3A_599, %select_n3A_603 : vector<256x1xi32>
    %shift_right_arithmetic3A_606 = arith.constant 1 : i32
    %shift_right_arithmetic3A_607 = vector.broadcast %shift_right_arithmetic3A_606 : i32 to vector<256x1xi32>
    %shift_right_arithmetic3A_608 = arith.shrsi %xor3A_605, %shift_right_arithmetic3A_607 : vector<256x1xi32>
    %add3A_609 = arith.addi %and3A_604, %shift_right_arithmetic3A_608 : vector<256x1xi32>
    %xor3A_610 = arith.xori %select_n3A_599, %select_n3A_603 : vector<256x1xi32>
    %and3A_611 = arith.constant 1 : i32
    %and3A_612 = vector.broadcast %and3A_611 : i32 to vector<256x1xi32>
    %and3A_613 = arith.andi %xor3A_610, %and3A_612 : vector<256x1xi32>
    %add3A_614 = arith.addi %add3A_609, %and3A_613 : vector<256x1xi32>
    %ge3A_615 = vector.broadcast %add3A_614 : vector<256x1xi32> to vector<256x1664xi32>
    %ge3A_616 = arith.cmpi sge, %select_n3A, %ge3A_615 : vector<256x1664xi32>
    %convert_element_type3A_617 = arith.extui %ge3A_616 : vector<256x1664xi1> to vector<256x1664xi32>
    %reduce_sum3A_618 = arith.constant dense<0> : vector<256xi32>
    %reduce_sum3A_619 = vector.multi_reduction <add>, %convert_element_type3A_617, %reduce_sum3A_618 [1] : vector<256x1664xi32> to vector<256xi32>
    %broadcast_in_dim3A_620 = vector.shape_cast %reduce_sum3A_619 : vector<256xi32> to vector<256x1xi32>
    %ge3A_621 = arith.constant 100 : i32
    %ge3A_622 = vector.broadcast %ge3A_621 : i32 to vector<256x1xi32>
    %ge3A_623 = arith.cmpi sge, %broadcast_in_dim3A_620, %ge3A_622 : vector<256x1xi32>
    %select_n3A_624 = arith.select %ge3A_623, %add3A_614, %select_n3A_599 : vector<256x1xi1>, vector<256x1xi32>
    %sub3A_625 = arith.constant 1 : i32
    %sub3A_626 = vector.broadcast %sub3A_625 : i32 to vector<256x1xi32>
    %sub3A_627 = arith.subi %add3A_614, %sub3A_626 : vector<256x1xi32>
    %select_n3A_628 = arith.select %ge3A_623, %select_n3A_603, %sub3A_627 : vector<256x1xi1>, vector<256x1xi32>
    %and3A_629 = arith.andi %select_n3A_624, %select_n3A_628 : vector<256x1xi32>
    %xor3A_630 = arith.xori %select_n3A_624, %select_n3A_628 : vector<256x1xi32>
    %shift_right_arithmetic3A_631 = arith.constant 1 : i32
    %shift_right_arithmetic3A_632 = vector.broadcast %shift_right_arithmetic3A_631 : i32 to vector<256x1xi32>
    %shift_right_arithmetic3A_633 = arith.shrsi %xor3A_630, %shift_right_arithmetic3A_632 : vector<256x1xi32>
    %add3A_634 = arith.addi %and3A_629, %shift_right_arithmetic3A_633 : vector<256x1xi32>
    %xor3A_635 = arith.xori %select_n3A_624, %select_n3A_628 : vector<256x1xi32>
    %and3A_636 = arith.constant 1 : i32
    %and3A_637 = vector.broadcast %and3A_636 : i32 to vector<256x1xi32>
    %and3A_638 = arith.andi %xor3A_635, %and3A_637 : vector<256x1xi32>
    %add3A_639 = arith.addi %add3A_634, %and3A_638 : vector<256x1xi32>
    %ge3A_640 = vector.broadcast %add3A_639 : vector<256x1xi32> to vector<256x1664xi32>
    %ge3A_641 = arith.cmpi sge, %select_n3A, %ge3A_640 : vector<256x1664xi32>
    %convert_element_type3A_642 = arith.extui %ge3A_641 : vector<256x1664xi1> to vector<256x1664xi32>
    %reduce_sum3A_643 = arith.constant dense<0> : vector<256xi32>
    %reduce_sum3A_644 = vector.multi_reduction <add>, %convert_element_type3A_642, %reduce_sum3A_643 [1] : vector<256x1664xi32> to vector<256xi32>
    %broadcast_in_dim3A_645 = vector.shape_cast %reduce_sum3A_644 : vector<256xi32> to vector<256x1xi32>
    %ge3A_646 = arith.constant 100 : i32
    %ge3A_647 = vector.broadcast %ge3A_646 : i32 to vector<256x1xi32>
    %ge3A_648 = arith.cmpi sge, %broadcast_in_dim3A_645, %ge3A_647 : vector<256x1xi32>
    %select_n3A_649 = arith.select %ge3A_648, %add3A_639, %select_n3A_624 : vector<256x1xi1>, vector<256x1xi32>
    %sub3A_650 = arith.constant 1 : i32
    %sub3A_651 = vector.broadcast %sub3A_650 : i32 to vector<256x1xi32>
    %sub3A_652 = arith.subi %add3A_639, %sub3A_651 : vector<256x1xi32>
    %select_n3A_653 = arith.select %ge3A_648, %select_n3A_628, %sub3A_652 : vector<256x1xi1>, vector<256x1xi32>
    %and3A_654 = arith.andi %select_n3A_649, %select_n3A_653 : vector<256x1xi32>
    %xor3A_655 = arith.xori %select_n3A_649, %select_n3A_653 : vector<256x1xi32>
    %shift_right_arithmetic3A_656 = arith.constant 1 : i32
    %shift_right_arithmetic3A_657 = vector.broadcast %shift_right_arithmetic3A_656 : i32 to vector<256x1xi32>
    %shift_right_arithmetic3A_658 = arith.shrsi %xor3A_655, %shift_right_arithmetic3A_657 : vector<256x1xi32>
    %add3A_659 = arith.addi %and3A_654, %shift_right_arithmetic3A_658 : vector<256x1xi32>
    %xor3A_660 = arith.xori %select_n3A_649, %select_n3A_653 : vector<256x1xi32>
    %and3A_661 = arith.constant 1 : i32
    %and3A_662 = vector.broadcast %and3A_661 : i32 to vector<256x1xi32>
    %and3A_663 = arith.andi %xor3A_660, %and3A_662 : vector<256x1xi32>
    %add3A_664 = arith.addi %add3A_659, %and3A_663 : vector<256x1xi32>
    %ge3A_665 = vector.broadcast %add3A_664 : vector<256x1xi32> to vector<256x1664xi32>
    %ge3A_666 = arith.cmpi sge, %select_n3A, %ge3A_665 : vector<256x1664xi32>
    %convert_element_type3A_667 = arith.extui %ge3A_666 : vector<256x1664xi1> to vector<256x1664xi32>
    %reduce_sum3A_668 = arith.constant dense<0> : vector<256xi32>
    %reduce_sum3A_669 = vector.multi_reduction <add>, %convert_element_type3A_667, %reduce_sum3A_668 [1] : vector<256x1664xi32> to vector<256xi32>
    %broadcast_in_dim3A_670 = vector.shape_cast %reduce_sum3A_669 : vector<256xi32> to vector<256x1xi32>
    %ge3A_671 = arith.constant 100 : i32
    %ge3A_672 = vector.broadcast %ge3A_671 : i32 to vector<256x1xi32>
    %ge3A_673 = arith.cmpi sge, %broadcast_in_dim3A_670, %ge3A_672 : vector<256x1xi32>
    %select_n3A_674 = arith.select %ge3A_673, %add3A_664, %select_n3A_649 : vector<256x1xi1>, vector<256x1xi32>
    %sub3A_675 = arith.constant 1 : i32
    %sub3A_676 = vector.broadcast %sub3A_675 : i32 to vector<256x1xi32>
    %sub3A_677 = arith.subi %add3A_664, %sub3A_676 : vector<256x1xi32>
    %select_n3A_678 = arith.select %ge3A_673, %select_n3A_653, %sub3A_677 : vector<256x1xi1>, vector<256x1xi32>
    %and3A_679 = arith.andi %select_n3A_674, %select_n3A_678 : vector<256x1xi32>
    %xor3A_680 = arith.xori %select_n3A_674, %select_n3A_678 : vector<256x1xi32>
    %shift_right_arithmetic3A_681 = arith.constant 1 : i32
    %shift_right_arithmetic3A_682 = vector.broadcast %shift_right_arithmetic3A_681 : i32 to vector<256x1xi32>
    %shift_right_arithmetic3A_683 = arith.shrsi %xor3A_680, %shift_right_arithmetic3A_682 : vector<256x1xi32>
    %add3A_684 = arith.addi %and3A_679, %shift_right_arithmetic3A_683 : vector<256x1xi32>
    %xor3A_685 = arith.xori %select_n3A_674, %select_n3A_678 : vector<256x1xi32>
    %and3A_686 = arith.constant 1 : i32
    %and3A_687 = vector.broadcast %and3A_686 : i32 to vector<256x1xi32>
    %and3A_688 = arith.andi %xor3A_685, %and3A_687 : vector<256x1xi32>
    %add3A_689 = arith.addi %add3A_684, %and3A_688 : vector<256x1xi32>
    %ge3A_690 = vector.broadcast %add3A_689 : vector<256x1xi32> to vector<256x1664xi32>
    %ge3A_691 = arith.cmpi sge, %select_n3A, %ge3A_690 : vector<256x1664xi32>
    %convert_element_type3A_692 = arith.extui %ge3A_691 : vector<256x1664xi1> to vector<256x1664xi32>
    %reduce_sum3A_693 = arith.constant dense<0> : vector<256xi32>
    %reduce_sum3A_694 = vector.multi_reduction <add>, %convert_element_type3A_692, %reduce_sum3A_693 [1] : vector<256x1664xi32> to vector<256xi32>
    %broadcast_in_dim3A_695 = vector.shape_cast %reduce_sum3A_694 : vector<256xi32> to vector<256x1xi32>
    %ge3A_696 = arith.constant 100 : i32
    %ge3A_697 = vector.broadcast %ge3A_696 : i32 to vector<256x1xi32>
    %ge3A_698 = arith.cmpi sge, %broadcast_in_dim3A_695, %ge3A_697 : vector<256x1xi32>
    %select_n3A_699 = arith.select %ge3A_698, %add3A_689, %select_n3A_674 : vector<256x1xi1>, vector<256x1xi32>
    %sub3A_700 = arith.constant 1 : i32
    %sub3A_701 = vector.broadcast %sub3A_700 : i32 to vector<256x1xi32>
    %sub3A_702 = arith.subi %add3A_689, %sub3A_701 : vector<256x1xi32>
    %select_n3A_703 = arith.select %ge3A_698, %select_n3A_678, %sub3A_702 : vector<256x1xi1>, vector<256x1xi32>
    %and3A_704 = arith.andi %select_n3A_699, %select_n3A_703 : vector<256x1xi32>
    %xor3A_705 = arith.xori %select_n3A_699, %select_n3A_703 : vector<256x1xi32>
    %shift_right_arithmetic3A_706 = arith.constant 1 : i32
    %shift_right_arithmetic3A_707 = vector.broadcast %shift_right_arithmetic3A_706 : i32 to vector<256x1xi32>
    %shift_right_arithmetic3A_708 = arith.shrsi %xor3A_705, %shift_right_arithmetic3A_707 : vector<256x1xi32>
    %add3A_709 = arith.addi %and3A_704, %shift_right_arithmetic3A_708 : vector<256x1xi32>
    %xor3A_710 = arith.xori %select_n3A_699, %select_n3A_703 : vector<256x1xi32>
    %and3A_711 = arith.constant 1 : i32
    %and3A_712 = vector.broadcast %and3A_711 : i32 to vector<256x1xi32>
    %and3A_713 = arith.andi %xor3A_710, %and3A_712 : vector<256x1xi32>
    %add3A_714 = arith.addi %add3A_709, %and3A_713 : vector<256x1xi32>
    %ge3A_715 = vector.broadcast %add3A_714 : vector<256x1xi32> to vector<256x1664xi32>
    %ge3A_716 = arith.cmpi sge, %select_n3A, %ge3A_715 : vector<256x1664xi32>
    %convert_element_type3A_717 = arith.extui %ge3A_716 : vector<256x1664xi1> to vector<256x1664xi32>
    %reduce_sum3A_718 = arith.constant dense<0> : vector<256xi32>
    %reduce_sum3A_719 = vector.multi_reduction <add>, %convert_element_type3A_717, %reduce_sum3A_718 [1] : vector<256x1664xi32> to vector<256xi32>
    %broadcast_in_dim3A_720 = vector.shape_cast %reduce_sum3A_719 : vector<256xi32> to vector<256x1xi32>
    %ge3A_721 = arith.constant 100 : i32
    %ge3A_722 = vector.broadcast %ge3A_721 : i32 to vector<256x1xi32>
    %ge3A_723 = arith.cmpi sge, %broadcast_in_dim3A_720, %ge3A_722 : vector<256x1xi32>
    %select_n3A_724 = arith.select %ge3A_723, %add3A_714, %select_n3A_699 : vector<256x1xi1>, vector<256x1xi32>
    %sub3A_725 = arith.constant 1 : i32
    %sub3A_726 = vector.broadcast %sub3A_725 : i32 to vector<256x1xi32>
    %sub3A_727 = arith.subi %add3A_714, %sub3A_726 : vector<256x1xi32>
    %select_n3A_728 = arith.select %ge3A_723, %select_n3A_703, %sub3A_727 : vector<256x1xi1>, vector<256x1xi32>
    %and3A_729 = arith.andi %select_n3A_724, %select_n3A_728 : vector<256x1xi32>
    %xor3A_730 = arith.xori %select_n3A_724, %select_n3A_728 : vector<256x1xi32>
    %shift_right_arithmetic3A_731 = arith.constant 1 : i32
    %shift_right_arithmetic3A_732 = vector.broadcast %shift_right_arithmetic3A_731 : i32 to vector<256x1xi32>
    %shift_right_arithmetic3A_733 = arith.shrsi %xor3A_730, %shift_right_arithmetic3A_732 : vector<256x1xi32>
    %add3A_734 = arith.addi %and3A_729, %shift_right_arithmetic3A_733 : vector<256x1xi32>
    %xor3A_735 = arith.xori %select_n3A_724, %select_n3A_728 : vector<256x1xi32>
    %and3A_736 = arith.constant 1 : i32
    %and3A_737 = vector.broadcast %and3A_736 : i32 to vector<256x1xi32>
    %and3A_738 = arith.andi %xor3A_735, %and3A_737 : vector<256x1xi32>
    %add3A_739 = arith.addi %add3A_734, %and3A_738 : vector<256x1xi32>
    %ge3A_740 = vector.broadcast %add3A_739 : vector<256x1xi32> to vector<256x1664xi32>
    %ge3A_741 = arith.cmpi sge, %select_n3A, %ge3A_740 : vector<256x1664xi32>
    %convert_element_type3A_742 = arith.extui %ge3A_741 : vector<256x1664xi1> to vector<256x1664xi32>
    %reduce_sum3A_743 = arith.constant dense<0> : vector<256xi32>
    %reduce_sum3A_744 = vector.multi_reduction <add>, %convert_element_type3A_742, %reduce_sum3A_743 [1] : vector<256x1664xi32> to vector<256xi32>
    %broadcast_in_dim3A_745 = vector.shape_cast %reduce_sum3A_744 : vector<256xi32> to vector<256x1xi32>
    %ge3A_746 = arith.constant 100 : i32
    %ge3A_747 = vector.broadcast %ge3A_746 : i32 to vector<256x1xi32>
    %ge3A_748 = arith.cmpi sge, %broadcast_in_dim3A_745, %ge3A_747 : vector<256x1xi32>
    %select_n3A_749 = arith.select %ge3A_748, %add3A_739, %select_n3A_724 : vector<256x1xi1>, vector<256x1xi32>
    %sub3A_750 = arith.constant 1 : i32
    %sub3A_751 = vector.broadcast %sub3A_750 : i32 to vector<256x1xi32>
    %sub3A_752 = arith.subi %add3A_739, %sub3A_751 : vector<256x1xi32>
    %select_n3A_753 = arith.select %ge3A_748, %select_n3A_728, %sub3A_752 : vector<256x1xi1>, vector<256x1xi32>
    %and3A_754 = arith.andi %select_n3A_749, %select_n3A_753 : vector<256x1xi32>
    %xor3A_755 = arith.xori %select_n3A_749, %select_n3A_753 : vector<256x1xi32>
    %shift_right_arithmetic3A_756 = arith.constant 1 : i32
    %shift_right_arithmetic3A_757 = vector.broadcast %shift_right_arithmetic3A_756 : i32 to vector<256x1xi32>
    %shift_right_arithmetic3A_758 = arith.shrsi %xor3A_755, %shift_right_arithmetic3A_757 : vector<256x1xi32>
    %add3A_759 = arith.addi %and3A_754, %shift_right_arithmetic3A_758 : vector<256x1xi32>
    %xor3A_760 = arith.xori %select_n3A_749, %select_n3A_753 : vector<256x1xi32>
    %and3A_761 = arith.constant 1 : i32
    %and3A_762 = vector.broadcast %and3A_761 : i32 to vector<256x1xi32>
    %and3A_763 = arith.andi %xor3A_760, %and3A_762 : vector<256x1xi32>
    %add3A_764 = arith.addi %add3A_759, %and3A_763 : vector<256x1xi32>
    %ge3A_765 = vector.broadcast %add3A_764 : vector<256x1xi32> to vector<256x1664xi32>
    %ge3A_766 = arith.cmpi sge, %select_n3A, %ge3A_765 : vector<256x1664xi32>
    %convert_element_type3A_767 = arith.extui %ge3A_766 : vector<256x1664xi1> to vector<256x1664xi32>
    %reduce_sum3A_768 = arith.constant dense<0> : vector<256xi32>
    %reduce_sum3A_769 = vector.multi_reduction <add>, %convert_element_type3A_767, %reduce_sum3A_768 [1] : vector<256x1664xi32> to vector<256xi32>
    %broadcast_in_dim3A_770 = vector.shape_cast %reduce_sum3A_769 : vector<256xi32> to vector<256x1xi32>
    %ge3A_771 = arith.constant 100 : i32
    %ge3A_772 = vector.broadcast %ge3A_771 : i32 to vector<256x1xi32>
    %ge3A_773 = arith.cmpi sge, %broadcast_in_dim3A_770, %ge3A_772 : vector<256x1xi32>
    %select_n3A_774 = arith.select %ge3A_773, %add3A_764, %select_n3A_749 : vector<256x1xi1>, vector<256x1xi32>
    %sub3A_775 = arith.constant 1 : i32
    %sub3A_776 = vector.broadcast %sub3A_775 : i32 to vector<256x1xi32>
    %sub3A_777 = arith.subi %add3A_764, %sub3A_776 : vector<256x1xi32>
    %select_n3A_778 = arith.select %ge3A_773, %select_n3A_753, %sub3A_777 : vector<256x1xi1>, vector<256x1xi32>
    %and3A_779 = arith.andi %select_n3A_774, %select_n3A_778 : vector<256x1xi32>
    %xor3A_780 = arith.xori %select_n3A_774, %select_n3A_778 : vector<256x1xi32>
    %shift_right_arithmetic3A_781 = arith.constant 1 : i32
    %shift_right_arithmetic3A_782 = vector.broadcast %shift_right_arithmetic3A_781 : i32 to vector<256x1xi32>
    %shift_right_arithmetic3A_783 = arith.shrsi %xor3A_780, %shift_right_arithmetic3A_782 : vector<256x1xi32>
    %add3A_784 = arith.addi %and3A_779, %shift_right_arithmetic3A_783 : vector<256x1xi32>
    %xor3A_785 = arith.xori %select_n3A_774, %select_n3A_778 : vector<256x1xi32>
    %and3A_786 = arith.constant 1 : i32
    %and3A_787 = vector.broadcast %and3A_786 : i32 to vector<256x1xi32>
    %and3A_788 = arith.andi %xor3A_785, %and3A_787 : vector<256x1xi32>
    %add3A_789 = arith.addi %add3A_784, %and3A_788 : vector<256x1xi32>
    %ge3A_790 = vector.broadcast %add3A_789 : vector<256x1xi32> to vector<256x1664xi32>
    %ge3A_791 = arith.cmpi sge, %select_n3A, %ge3A_790 : vector<256x1664xi32>
    %convert_element_type3A_792 = arith.extui %ge3A_791 : vector<256x1664xi1> to vector<256x1664xi32>
    %reduce_sum3A_793 = arith.constant dense<0> : vector<256xi32>
    %reduce_sum3A_794 = vector.multi_reduction <add>, %convert_element_type3A_792, %reduce_sum3A_793 [1] : vector<256x1664xi32> to vector<256xi32>
    %broadcast_in_dim3A_795 = vector.shape_cast %reduce_sum3A_794 : vector<256xi32> to vector<256x1xi32>
    %ge3A_796 = arith.constant 100 : i32
    %ge3A_797 = vector.broadcast %ge3A_796 : i32 to vector<256x1xi32>
    %ge3A_798 = arith.cmpi sge, %broadcast_in_dim3A_795, %ge3A_797 : vector<256x1xi32>
    %select_n3A_799 = arith.select %ge3A_798, %add3A_789, %select_n3A_774 : vector<256x1xi1>, vector<256x1xi32>
    %ge3A_800 = arith.constant 0 : i32
    %ge3A_801 = vector.broadcast %ge3A_800 : i32 to vector<256x1xi32>
    %ge3A_802 = arith.cmpi sge, %select_n3A_799, %ge3A_801 : vector<256x1xi32>
    %xor3A_803 = arith.constant -2147483648 : i32
    %xor3A_804 = vector.broadcast %xor3A_803 : i32 to vector<256x1xi32>
    %xor3A_805 = arith.xori %select_n3A_799, %xor3A_804 : vector<256x1xi32>
    %not3A_806 = arith.constant dense<-1> : vector<256x1xi32>
    %not3A_807 = arith.xori %xor3A_805, %not3A_806 : vector<256x1xi32>
    %select_n3A_808 = arith.select %ge3A_802, %select_n3A_799, %not3A_807 : vector<256x1xi1>, vector<256x1xi32>
    %bitcast_convert_type3A_809 = tpu.bitcast %select_n3A_808 : vector<256x1xi32> -> vector<256x1xf32>
    %swap3A = arith.constant 0 : index
    %swap3A_810 = arith.constant 0 : index
    %swap3A_811 = vector.load %arg2[%swap3A, %swap3A_810] : memref<256x1xf32, #tpu.memory_space<vmem>>, vector<256x1xf32>
    tpu.vector_store %arg2[%swap3A, %swap3A_810], %bitcast_convert_type3A_809 {strides = array<i32>} : memref<256x1xf32, #tpu.memory_space<vmem>>, vector<256x1xf32>,
    return
  }
  func.func @transform_0(%arg0: i32) -> (i32, i32) {
    %c0_i32 = arith.constant 0 : i32
    %c0_i32_0 = arith.constant 0 : i32
    return %arg0, %c0_i32 : i32, i32
  }
  func.func @transform_1(%arg0: i32) -> (i32, i32) {
    %c0_i32 = arith.constant 0 : i32
    %c0_i32_0 = arith.constant 0 : i32
    return %arg0, %c0_i32 : i32, i32
  }
}

module attributes {stable_mosaic.version = 14 : i64} {
  func.func @_k3_body(%arg0: i32, %arg1: memref<128x8192xf32, #tpu.memory_space<vmem>>, %arg2: memref<128x8192xi32, #tpu.memory_space<vmem>>, %arg3: memref<128x1xf32, #tpu.memory_space<vmem>>, %arg4: memref<128x1000xf32, #tpu.memory_space<vmem>>, %arg5: memref<128x1000xf32, #tpu.memory_space<vmem>>, %arg6: memref<128x1000xf32, #tpu.memory_space<vmem>>) attributes {dimension_semantics = [#tpu.dimension_semantics<arbitrary>], iteration_bounds = array<i64: 32>, scalar_prefetch = 0 : i64, scratch_operands = 0 : i64, tpu.core_type = #tpu.core_type<tc>, window_params = [{transform_indices = @transform_0, window_bounds = array<i64: 128, 8192>}, {transform_indices = @transform_1, window_bounds = array<i64: 128, 8192>}, {transform_indices = @transform_2, window_bounds = array<i64: 128, 1>}, {transform_indices = @transform_3, window_bounds = array<i64: 128, 1000>}, {transform_indices = @transform_4, window_bounds = array<i64: 128, 1000>}, {transform_indices = @transform_5, window_bounds = array<i64: 128, 1000>}]} {
    %get3A = arith.constant 0 : index
    %get3A_0 = arith.constant 0 : index
    %get3A_1 = vector.load %arg1[%get3A, %get3A_0] : memref<128x8192xf32, #tpu.memory_space<vmem>>, vector<128x8192xf32>
    %get3A_2 = arith.constant 0 : index
    %get3A_3 = arith.constant 0 : index
    %get3A_4 = vector.load %arg2[%get3A_2, %get3A_3] : memref<128x8192xi32, #tpu.memory_space<vmem>>, vector<128x8192xi32>
    %get3A_5 = arith.constant 0 : index
    %get3A_6 = arith.constant 0 : index
    %get3A_7 = vector.load %arg3[%get3A_5, %get3A_6] : memref<128x1xf32, #tpu.memory_space<vmem>>, vector<128x1xf32>
    %ge3A = vector.broadcast %get3A_7 : vector<128x1xf32> to vector<128x8192xf32>
    %ge3A_8 = arith.cmpf oge, %get3A_1, %ge3A : vector<128x8192xf32>
    %jit3A = arith.constant -3.000000e+38 : f32
    %broadcast_in_dim3A = vector.broadcast %jit3A : f32 to vector<128x8192xf32>
    %select_n3A = arith.select %ge3A_8, %get3A_1, %broadcast_in_dim3A : vector<128x8192xi1>, vector<128x8192xf32>
    %iota3A = tpu.iota {dimensions = array<i32: 1>} : vector<128x8192xi32>
    %iota3A_9 = tpu.iota {dimensions = array<i32: 1>} : vector<128x1000xi32>
    %reduce_max3A = arith.constant dense<0xFF800000> : vector<128xf32>
    %reduce_max3A_10 = vector.multi_reduction <maximumf>, %select_n3A, %reduce_max3A [1] : vector<128x8192xf32> to vector<128xf32>
    %broadcast_in_dim3A_11 = vector.shape_cast %reduce_max3A_10 : vector<128xf32> to vector<128x1xf32>
    %broadcast_in_dim3A_12 = arith.constant 3.000000e+38 : f32
    %broadcast_in_dim3A_13 = vector.broadcast %broadcast_in_dim3A_12 : f32 to vector<128x1xf32>
    %broadcast_in_dim3A_14 = arith.constant -1 : i32
    %broadcast_in_dim3A_15 = vector.broadcast %broadcast_in_dim3A_14 : i32 to vector<128x1xi32>
    %broadcast_in_dim3A_16 = arith.constant 0.000000e+00 : f32
    %broadcast_in_dim3A_17 = vector.broadcast %broadcast_in_dim3A_16 : f32 to vector<128x1000xf32>
    %broadcast_in_dim3A_18 = arith.constant 0.000000e+00 : f32
    %broadcast_in_dim3A_19 = vector.broadcast %broadcast_in_dim3A_18 : f32 to vector<128x1xf32>
    %scan3A = arith.constant 1073741824 : i32
    %scan3A_20 = arith.constant 0 : i32
    %scan3A_21 = arith.constant 100 : i32
    %scan3A_22 = arith.addi %scan3A_20, %scan3A_21 : i32
    %scan3A_23 = arith.constant 1 : i32
    %scan3A_24:4 = scf.for %scan3A_45 = %scan3A_20 to %scan3A_22 step %scan3A_23 iter_args(%scan3A_46 = %broadcast_in_dim3A_13, %scan3A_47 = %broadcast_in_dim3A_15, %scan3A_48 = %broadcast_in_dim3A_17, %scan3A_49 = %broadcast_in_dim3A_19) -> (vector<128x1xf32>, vector<128x1xi32>, vector<128x1000xf32>, vector<128x1xf32>)  : i32 {
      %eq3A = vector.broadcast %scan3A_46 : vector<128x1xf32> to vector<128x8192xf32>
      %eq3A_50 = arith.cmpf oeq, %select_n3A, %eq3A : vector<128x8192xf32>
      %gt3A = vector.broadcast %scan3A_47 : vector<128x1xi32> to vector<128x8192xi32>
      %gt3A_51 = arith.cmpi sgt, %iota3A, %gt3A : vector<128x8192xi32>
      %and3A = arith.andi %eq3A_50, %gt3A_51 : vector<128x8192xi1>
      %broadcast_in_dim3A_52 = vector.broadcast %scan3A : i32 to vector<128x8192xi32>
      %select_n3A_53 = arith.select %and3A, %iota3A, %broadcast_in_dim3A_52 : vector<128x8192xi1>, vector<128x8192xi32>
      %reduce_min3A = arith.constant dense<2147483647> : vector<128xi32>
      %reduce_min3A_54 = vector.multi_reduction <minsi>, %select_n3A_53, %reduce_min3A [1] : vector<128x8192xi32> to vector<128xi32>
      %broadcast_in_dim3A_55 = vector.shape_cast %reduce_min3A_54 : vector<128xi32> to vector<128x1xi32>
      %lt3A = vector.broadcast %scan3A : i32 to vector<128x1xi32>
      %lt3A_56 = arith.cmpi slt, %broadcast_in_dim3A_55, %lt3A : vector<128x1xi32>
      %lt3A_57 = vector.broadcast %scan3A_46 : vector<128x1xf32> to vector<128x8192xf32>
      %lt3A_58 = arith.cmpf olt, %select_n3A, %lt3A_57 : vector<128x8192xf32>
      %jit3A_59 = arith.constant -3.000000e+38 : f32
      %broadcast_in_dim3A_60 = vector.broadcast %jit3A_59 : f32 to vector<128x8192xf32>
      %select_n3A_61 = arith.select %lt3A_58, %select_n3A, %broadcast_in_dim3A_60 : vector<128x8192xi1>, vector<128x8192xf32>
      %reduce_max3A_62 = arith.constant dense<0xFF800000> : vector<128xf32>
      %reduce_max3A_63 = vector.multi_reduction <maximumf>, %select_n3A_61, %reduce_max3A_62 [1] : vector<128x8192xf32> to vector<128xf32>
      %broadcast_in_dim3A_64 = vector.shape_cast %reduce_max3A_63 : vector<128xf32> to vector<128x1xf32>
      %eq3A_65 = vector.broadcast %broadcast_in_dim3A_64 : vector<128x1xf32> to vector<128x8192xf32>
      %eq3A_66 = arith.cmpf oeq, %select_n3A, %eq3A_65 : vector<128x8192xf32>
      %broadcast_in_dim3A_67 = vector.broadcast %scan3A : i32 to vector<128x8192xi32>
      %select_n3A_68 = arith.select %eq3A_66, %iota3A, %broadcast_in_dim3A_67 : vector<128x8192xi1>, vector<128x8192xi32>
      %reduce_min3A_69 = arith.constant dense<2147483647> : vector<128xi32>
      %reduce_min3A_70 = vector.multi_reduction <minsi>, %select_n3A_68, %reduce_min3A_69 [1] : vector<128x8192xi32> to vector<128xi32>
      %broadcast_in_dim3A_71 = vector.shape_cast %reduce_min3A_70 : vector<128xi32> to vector<128x1xi32>
      %select_n3A_72 = arith.select %lt3A_56, %scan3A_46, %broadcast_in_dim3A_64 : vector<128x1xi1>, vector<128x1xf32>
      %select_n3A_73 = arith.select %lt3A_56, %broadcast_in_dim3A_55, %broadcast_in_dim3A_71 : vector<128x1xi1>, vector<128x1xi32>
      %sub3A = arith.subf %select_n3A_72, %broadcast_in_dim3A_11 : vector<128x1xf32>
      %div3A_74 = arith.constant 7.000000e-02 : f32
      %div3A_75 = vector.broadcast %div3A_74 : f32 to vector<128x1xf32>
      %div3A_76 = arith.divf %sub3A, %div3A_75 : vector<128x1xf32>
      %exp3A = math.exp %div3A_76 : vector<128x1xf32>
      %eq3A_77 = vector.broadcast %select_n3A_73 : vector<128x1xi32> to vector<128x8192xi32>
      %eq3A_78 = arith.cmpi eq, %iota3A, %eq3A_77 : vector<128x8192xi32>
      %jit3A_79 = arith.constant 0 : i32
      %broadcast_in_dim3A_80 = vector.broadcast %jit3A_79 : i32 to vector<128x8192xi32>
      %select_n3A_81 = arith.select %eq3A_78, %get3A_4, %broadcast_in_dim3A_80 : vector<128x8192xi1>, vector<128x8192xi32>
      %reduce_sum3A = arith.constant dense<0> : vector<128xi32>
      %reduce_sum3A_82 = vector.multi_reduction <add>, %select_n3A_81, %reduce_sum3A [1] : vector<128x8192xi32> to vector<128xi32>
      %broadcast_in_dim3A_83 = vector.shape_cast %reduce_sum3A_82 : vector<128xi32> to vector<128x1xi32>
      %eq3A_84 = vector.broadcast %broadcast_in_dim3A_83 : vector<128x1xi32> to vector<128x1000xi32>
      %eq3A_85 = arith.cmpi eq, %iota3A_9, %eq3A_84 : vector<128x1000xi32>
      %jit3A_86 = arith.constant 0.000000e+00 : f32
      %broadcast_in_dim3A_87 = vector.shape_cast %exp3A : vector<128x1xf32> to vector<128x1xf32>
      %broadcast_in_dim3A_88 = vector.broadcast %broadcast_in_dim3A_87 : vector<128x1xf32> to vector<128x1000xf32>
      %broadcast_in_dim3A_89 = vector.broadcast %jit3A_86 : f32 to vector<128x1000xf32>
      %select_n3A_90 = arith.select %eq3A_85, %broadcast_in_dim3A_88, %broadcast_in_dim3A_89 : vector<128x1000xi1>, vector<128x1000xf32>
      %add3A = arith.addf %scan3A_48, %select_n3A_90 : vector<128x1000xf32>
      %add3A_91 = arith.addf %scan3A_49, %exp3A : vector<128x1xf32>
      %eq3A_92 = arith.constant 9 : i32
      %eq3A_93 = arith.cmpi eq, %scan3A_45, %eq3A_92 : i32
      %convert_element_type3A = arith.extui %eq3A_93 : i1 to i32
      %cond3A = arith.constant 0 : i32
      %cond3A_94 = arith.cmpi ne, %convert_element_type3A, %cond3A : i32
      scf.if %cond3A_94 {
        %swap3A_100 = arith.constant 0 : index
        %swap3A_101 = arith.constant 0 : index
        %swap3A_102 = vector.load %arg4[%swap3A_100, %swap3A_101] : memref<128x1000xf32, #tpu.memory_space<vmem>>, vector<128x1000xf32>
        tpu.vector_store %arg4[%swap3A_100, %swap3A_101], %add3A {strides = array<i32>} : memref<128x1000xf32, #tpu.memory_space<vmem>>, vector<128x1000xf32>,
      } else {
      }
      %eq3A_95 = arith.constant 19 : i32
      %eq3A_96 = arith.cmpi eq, %scan3A_45, %eq3A_95 : i32
      %convert_element_type3A_97 = arith.extui %eq3A_96 : i1 to i32
      %cond3A_98 = arith.constant 0 : i32
      %cond3A_99 = arith.cmpi ne, %convert_element_type3A_97, %cond3A_98 : i32
      scf.if %cond3A_99 {
        %swap3A_100 = arith.constant 0 : index
        %swap3A_101 = arith.constant 0 : index
        %swap3A_102 = vector.load %arg5[%swap3A_100, %swap3A_101] : memref<128x1000xf32, #tpu.memory_space<vmem>>, vector<128x1000xf32>
        tpu.vector_store %arg5[%swap3A_100, %swap3A_101], %add3A {strides = array<i32>} : memref<128x1000xf32, #tpu.memory_space<vmem>>, vector<128x1000xf32>,
      } else {
      }
      scf.yield %select_n3A_72, %select_n3A_73, %add3A, %add3A_91 : vector<128x1xf32>, vector<128x1xi32>, vector<128x1000xf32>, vector<128x1xf32>
    }
    %scan3A_25 = arith.constant 100 : i32
    %div3A = vector.broadcast %scan3A_24#3 : vector<128x1xf32> to vector<128x1000xf32>
    %div3A_26 = arith.divf %scan3A_24#2, %div3A : vector<128x1000xf32>
    %swap3A = arith.constant 0 : index
    %swap3A_27 = arith.constant 0 : index
    %swap3A_28 = vector.load %arg6[%swap3A, %swap3A_27] : memref<128x1000xf32, #tpu.memory_space<vmem>>, vector<128x1000xf32>
    tpu.vector_store %arg6[%swap3A, %swap3A_27], %div3A_26 {strides = array<i32>} : memref<128x1000xf32, #tpu.memory_space<vmem>>, vector<128x1000xf32>,
    %get3A_29 = arith.constant 0 : index
    %get3A_30 = arith.constant 0 : index
    %get3A_31 = vector.load %arg4[%get3A_29, %get3A_30] : memref<128x1000xf32, #tpu.memory_space<vmem>>, vector<128x1000xf32>
    %div3A_32 = vector.broadcast %scan3A_24#3 : vector<128x1xf32> to vector<128x1000xf32>
    %div3A_33 = arith.divf %get3A_31, %div3A_32 : vector<128x1000xf32>
    %swap3A_34 = arith.constant 0 : index
    %swap3A_35 = arith.constant 0 : index
    %swap3A_36 = vector.load %arg4[%swap3A_34, %swap3A_35] : memref<128x1000xf32, #tpu.memory_space<vmem>>, vector<128x1000xf32>
    tpu.vector_store %arg4[%swap3A_34, %swap3A_35], %div3A_33 {strides = array<i32>} : memref<128x1000xf32, #tpu.memory_space<vmem>>, vector<128x1000xf32>,
    %get3A_37 = arith.constant 0 : index
    %get3A_38 = arith.constant 0 : index
    %get3A_39 = vector.load %arg5[%get3A_37, %get3A_38] : memref<128x1000xf32, #tpu.memory_space<vmem>>, vector<128x1000xf32>
    %div3A_40 = vector.broadcast %scan3A_24#3 : vector<128x1xf32> to vector<128x1000xf32>
    %div3A_41 = arith.divf %get3A_39, %div3A_40 : vector<128x1000xf32>
    %swap3A_42 = arith.constant 0 : index
    %swap3A_43 = arith.constant 0 : index
    %swap3A_44 = vector.load %arg5[%swap3A_42, %swap3A_43] : memref<128x1000xf32, #tpu.memory_space<vmem>>, vector<128x1000xf32>
    tpu.vector_store %arg5[%swap3A_42, %swap3A_43], %div3A_41 {strides = array<i32>} : memref<128x1000xf32, #tpu.memory_space<vmem>>, vector<128x1000xf32>,
    return
  }
  func.func @transform_0(%arg0: i32) -> (i32, i32) {
    %c0_i32 = arith.constant 0 : i32
    %c0_i32_0 = arith.constant 0 : i32
    return %arg0, %c0_i32 : i32, i32
  }
  func.func @transform_1(%arg0: i32) -> (i32, i32) {
    %c0_i32 = arith.constant 0 : i32
    %c0_i32_0 = arith.constant 0 : i32
    return %arg0, %c0_i32 : i32, i32
  }
  func.func @transform_2(%arg0: i32) -> (i32, i32) {
    %c0_i32 = arith.constant 0 : i32
    %c0_i32_0 = arith.constant 0 : i32
    return %arg0, %c0_i32 : i32, i32
  }
  func.func @transform_3(%arg0: i32) -> (i32, i32) {
    %c0_i32 = arith.constant 0 : i32
    %c0_i32_0 = arith.constant 0 : i32
    return %arg0, %c0_i32 : i32, i32
  }
  func.func @transform_4(%arg0: i32) -> (i32, i32) {
    %c0_i32 = arith.constant 0 : i32
    %c0_i32_0 = arith.constant 0 : i32
    return %arg0, %c0_i32 : i32, i32
  }
  func.func @transform_5(%arg0: i32) -> (i32, i32) {
    %c0_i32 = arith.constant 0 : i32
    %c0_i32_0 = arith.constant 0 : i32
    return %arg0, %c0_i32 : i32, i32
  }
}

</mosaic_0001>

<sc_bundles>
// kernel: gather_offload_async_start
scs
__scs_entry_jumppad:
0x0: {  	(pc) =	sbr.rel $0x88, $3  }
0x1: {  	(tag) =	ssettag $0x0;
	lr =	simm.s32 $0x1  }
0x2: {  	[smem:$0x3F9E] =	sst lr;
	_ =	strace $0xD0000000  }
0x3: {  	_ = 	snop  }
0x4: {  	_ = 	snop  }
0x5: {  	_ = 	snop  }
0x6: {  	_ = 	snop  }
0x7: {  	_ = 	snop  }
__scs_overlays_trampoline_lowered:
0x8: {  	[smem:$0x3FAD] =	sst s0  }
0x9: {  	[smem:$0x3FAE] =	sst s1  }
0xa: {  	[smem:$0x3FAF] =	sst s2  }
0xb: {  	[smem:$0x3FB0] =	sst s3  }
0xc: {  	[smem:$0x3FB1] =	sst s4  }
0xd: {  	[smem:$0x3FB2] =	sst s5  }
0xe: {  	[smem:$0x3FB3] =	sst s6  }
0xf: {  	[smem:$0x3FB4] =	sst s7  }
0x10: {  	[smem:$0x3FB5] =	sst s8  }
0x11: {  	[smem:$0x3FB6] =	sst s9;
	s0 =	simm.s32 @!p0 $0x0  }
0x12: {  	s1 =	sld [smem:$0x3F9C];
	s0 =	simm.s32 @p0 $0x1  }
0x13: {  	[smem:$0x3FB7] =	sst s0;
	s0 =	simm.s32 @!p1 $0x0  }
0x14: {  	s2 =	sld [smem:$0x3F9B];
	s0 =	simm.s32 @p1 $0x1  }
0x15: {  	[smem:$0x3FB8] =	sst s0;
	s0 =	simm.s32 @!p2 $0x0  }
0x16: {  	s3 =	sld [smem:$0x3FDB];
	s0 =	simm.s32 @p2 $0x1  }
0x17: {  	s4 =	simm.s32 $0x1BF5;
	[smem:$0x3FBA] =	sst s0  }
0x18: {  	s0 =	sld [smem:$0x3F9D];
	_ =	swait.ge [sflag:s4], $0x0  }
0x19: {  	s7 =	sld [smem:$0x3F9E]  }
0x1a: {  	s8 =	sadd.s32 $0xFFFFE003, lr  }
0x1b: {  	s9 =	sadd.s32 $0xFFFFFEF7, lr;
	s5 =	simm.s32 $0xFFFFFFFF;
	p2 =	slt.u32 s8, $0xFFFFF086  }
0x1c: {  	p1 =	slt.u32 s9, $0xF7A;
	s5 =	simm.s32 @!p2 $0x0  }
0x1d: {  	s5 =	simm.s32 @p1 $0x1;
	p0 =	seq.s32 s7, s2  }
0x1e: {  	s7 =	smul.u32 @!p0 $0xF7A, s2;
	p2 =	seq.s32 @!p0 s5, $0x0  }
0x1f: {  	s9 =	smul.u32 $0xF7A, s1;
	s8 =	simm.s32 @!p0 $0x1BF5;
	p2 =	por !p2, p0  }
0x20: {  	[sflag:s8] =	ssyncset.s32 @!p0 $0xFFFFF086;
	s6 =	sadd.s32 @!p0 s3, s7;
	s7 =	simm.s32 @!p0 $0x108  }
0x21: {  	s3 =	sadd.s32 s3, s9;
	s6 =	sadd.s32 @!p0 $0x88, s6;
	s7 =	simm.s32 @p2 $0x1082  }
0x22: {  	[simem:s7], [sflag:s8] =	dma.local @!p0 [hbm:s6], $0xF7A  }
0x23: {  	s9 =	sor.u32 $0xD0000000, s2;
	s6 =	simm.s32 $0x108;
	_ =	swait.ge @!p0 [sflag:s8], $0x0  }
0x24: {  	s3 =	sadd.s32 $0x88, s3;
	s6 =	simm.s32 @!p1 $0x1082;
	[sflag:s4] =	ssyncset.s32 $0xFFFFF086  }
0x25: {  	[simem:s6], [sflag:s4] =	dma.local [hbm:s3], $0xF7A  }
0x26: {  	[smem:$0x3F9E] =	sst s1;
	(tag) =	ssettag s2;
	_ =	strace s9  }
0x27: {  	s1 =	sld [smem:$0x3FAE]  }
0x28: {  	s2 =	sld [smem:$0x3FAF]  }
0x29: {  	s4 =	sld [smem:$0x3FB1]  }
0x2a: {  	p0 =	seq.s32 s5, $0x0;
	s5 =	sld [smem:$0x3FB2]  }
0x2b: {  	s6 =	sld [smem:$0x3FB3]  }
0x2c: {  	s7 =	sld [smem:$0x3FB4]  }
0x2d: {  	s3 =	simm.s32 $0x108;
	s8 =	sld [smem:$0x3FB5]  }
0x2e: {  	s3 =	simm.s32 @!p0 $0x1082;
	s9 =	sld [smem:$0x3FB6]  }
0x2f: {  	lr =	sadd.s32 s0, s3;
	s0 =	sld [smem:$0x3FAD]  }
0x30: {  	s3 =	sld [smem:$0x3FB0]  }
0x31: {  	[smem:$0x3FB9] =	sst s10  }
0x32: {  	s10 =	sld [smem:$0x3FB7];
	_ =	sdelay $0x3  }
0x33: {  	p0 =	seq.s32 s10, $0x1;
	s10 =	sld [smem:$0x3FB9];
	_ =	sdelay $0x3  }
0x34: {  	[smem:$0x3FB9] =	sst s10  }
0x35: {  	s10 =	sld [smem:$0x3FB8];
	_ =	sdelay $0x3  }
0x36: {  	p1 =	seq.s32 s10, $0x1;
	s10 =	sld [smem:$0x3FB9];
	_ =	sdelay $0x3  }
0x37: {  	[smem:$0x3FB9] =	sst s10  }
0x38: {  	s10 =	sld [smem:$0x3FBA]  }
0x39: {  	_ = 	snop;
	(pc) =	sbr.ind lr, $3  }
0x3a: {  	_ = 	snop  }
0x3b: {  	_ = 	snop  }
0x3c: {  	p2 =	seq.s32 s10, $0x1;
	s10 =	sld [smem:$0x3FB9]  }
0x3d: {  	_ =	shalt  }
0x3e: {  	_ =	shalt  }
0x3f: {  	_ =	shalt  }
0x40: {  	_ =	shalt  }
0x41: {  	_ =	shalt  }
0x42: {  	_ =	shalt  }
0x43: {  	_ =	shalt  }
0x44: {  	_ =	shalt  }
0x45: {  	_ =	shalt  }
0x46: {  	_ =	shalt  }
0x47: {  	_ =	shalt  }
0x48: {  	_ =	shalt  }
0x49: {  	_ =	shalt  }
0x4a: {  	_ =	shalt  }
0x4b: {  	_ =	shalt  }
0x4c: {  	_ =	shalt  }
0x4d: {  	_ =	shalt  }
0x4e: {  	_ =	shalt  }
0x4f: {  	_ =	shalt  }
0x50: {  	_ =	shalt  }
0x51: {  	_ =	shalt  }
0x52: {  	_ =	shalt  }
0x53: {  	_ =	shalt  }
0x54: {  	_ =	shalt  }
0x55: {  	_ =	shalt  }
0x56: {  	_ =	shalt  }
0x57: {  	_ =	shalt  }
0x58: {  	_ =	shalt  }
0x59: {  	_ =	shalt  }
0x5a: {  	_ =	shalt  }
0x5b: {  	_ =	shalt  }
0x5c: {  	_ =	shalt  }
0x5d: {  	_ =	shalt  }
0x5e: {  	_ =	shalt  }
0x5f: {  	_ =	shalt  }
0x60: {  	_ =	shalt  }
0x61: {  	_ =	shalt  }
0x62: {  	_ =	shalt  }
0x63: {  	_ =	shalt  }
0x64: {  	_ =	shalt  }
0x65: {  	_ =	shalt  }
0x66: {  	_ =	shalt  }
0x67: {  	_ =	shalt  }
0x68: {  	_ =	shalt  }
0x69: {  	_ =	shalt  }
0x6a: {  	_ =	shalt  }
0x6b: {  	_ =	shalt  }
0x6c: {  	_ =	shalt  }
0x6d: {  	_ =	shalt  }
0x6e: {  	_ =	shalt  }
0x6f: {  	_ =	shalt  }
0x70: {  	_ =	shalt  }
0x71: {  	_ =	shalt  }
0x72: {  	_ =	shalt  }
0x73: {  	_ =	shalt  }
0x74: {  	_ =	shalt  }
0x75: {  	_ =	shalt  }
0x76: {  	_ =	shalt  }
0x77: {  	_ =	shalt  }
0x78: {  	_ =	shalt  }
0x79: {  	_ =	shalt  }
0x7a: {  	_ =	shalt  }
0x7b: {  	_ =	shalt  }
0x7c: {  	_ =	shalt  }
0x7d: {  	_ =	shalt  }
0x7e: {  	_ =	shalt  }
0x7f: {  	_ =	shalt  }
0x80: {  	_ =	shalt  }
0x81: {  	_ =	shalt  }
0x82: {  	_ =	shalt  }
0x83: {  	_ =	shalt  }
0x84: {  	_ =	shalt  }
0x85: {  	_ =	shalt  }
0x86: {  	_ =	shalt  }
0x87: {  	_ =	shalt  }
.Lfunc_end0:
.L_simem_size_0:
called_computation.3_lowered:
.L_overlay_start_0:
0x88: {  	s2 =	sld [smem:$0x3FD9]  }
0x89: {  	s3 =	sld [smem:$0x3FFE];
	_ =	sdelay $0x1  }
0x8a: {  	s1 =	srdreg.scid  }
0x8b: {  	s0 =	sand.u32 $0x1, s1  }
0x8c: {  	s14 =	sshll.u32 s0, $0xA;
	s2 =	sadd.s32 s3, s2  }
0x8d: {  	s2 =	sadd.s32 s2, s14  }
0x8e: {  	[smem:$0x3FC5] =	sst s2  }
0x8f: {  	_ = 	snop  }
0x90: {  	s2 =	sld [smem:$0x3FD0];
	_ =	sdelay $0x2  }
0x91: {  	s15 =	simm.s32 $0xB;
	s4 =	simm.s32 $0x10  }
0x92: {  	[smem:s4], [sflag:s15] =	dma.local [hbm:s2], $0x1  }
0x93: {  	_ =	swait.eq [sflag:s15], $0x1  }
0x94: {  	[sflag:s15] =	ssyncset.done $0x0  }
0x95: {  	[sflag:s15] =	ssyncadd.s32 $0xFFFFFFFF  }
0x96: {  	s16 =	sld [smem:$0x12];
	(tm) =	ssettm $0x1  }
0x97: {  	s17 =	sld [smem:$0x3FFB];
	_ =	sdelay $0x3  }
0x98: {  	_ =	strace s17  }
0x99: {  	s3 =	sld [smem:$0x3FFC];
	_ =	sdelay $0x3  }
0x9a: {  	_ =	strace s3  }
0x9b: {  	s3 =	sld [smem:$0x3FFD];
	_ =	sdelay $0x3  }
0x9c: {  	_ =	strace s3  }
0x9d: {  	_ =	strace $0x8FFFFFFF  }
0x9e: {  	s18 =	sld [smem:$0x3FDB];
	_ =	sdelay $0x1  }
0x9f: {  	s19 =	simm.s32 $_scs_section_size  }
0xa0: {  	s5 =	simm.s32 $_size__tile_overlayer_lowered;
	s6 =	simm.s32 $_tile_overlayer_lowered  }
0xa1: {  	s22 =	simm.s32 $0x1BFF;
	s21 =	sshll.u32 s6, $0x1;
	s3 =	sadd.s32 s19, s18  }
0xa2: {  	s7 =	simm.s32 $0x0;
	s20 =	sshll.u32 s5, $0x1;
	s5 =	sadd.s32 s21, s3  }
0xa3: {  	[timem:s7], [sflag:s22] =	dma.local [hbm:s5], s20  }
0xa4: {  	_ =	swait.ge [sflag:s22], s20  }
0xa5: {  	s4 =	ssub.s32 $0x0, s20;
	[sflag:s22] =	ssyncset.done $0x0  }
0xa6: {  	[sflag:s22] =	ssyncadd.s32 s4;
	_ =	sdelay $0x1  }
0xa7: {  	s23 =	simm.s32 $0x1B8B  }
0xa8: {  	_ =	swait.ge [sflag:s23], $0x1  }
0xa9: {  	[sflag:s23] =	ssyncset.done $0x0  }
0xaa: {  	s25 =	simm.s32 $0x1B8E;
	s24 =	sld [smem:$0x3FFE];
	[sflag:s23] =	ssyncadd.s32 $0xFFFFFFFF  }
0xab: {  	s26 =	simm.s32 $execute0_lowered;
	[smem:$0x3FD2] =	sst s25  }
0xac: {  	s5 =	sshll.u32 s26, $0x1;
	_ =	strace $0x80000049;
	[dreg:$0x1] =	wrdreg $0xFFFFFFFF  }
0xad: {  	s28 =	simm.s32 $_size_execute0_lowered;
	s3 =	sadd.s32 s3, s5;
	[dreg:$0x0] =	wrdreg $0x0  }
0xae: {  	s5 =	sshll.u32 s28, $0x1;
	[dreg:$0x2] =	wrdreg s3  }
0xaf: {  	[dreg:$0x3] =	wrdreg s5  }
0xb0: {  	[dreg:$0x4] =	wrdreg $0xC0  }
0xb1: {  	_ =	task [dreg:s7], $0x5FFFF  }
0xb2: {  	[dreg:$0x1] =	wrdreg $0xFFFFFFFF  }
0xb3: {  	[dreg:$0x0] =	wrdreg $0x60  }
0xb4: {  	[dreg:$0x2] =	wrdreg s24  }
0xb5: {  	[dreg:$0x3] =	wrdreg s16  }
0xb6: {  	[dreg:$0x4] =	wrdreg $0xA  }
0xb7: {  	_ =	task.clear_ibuf [dreg:s7], $0x5FFFF;
	_ =	strace $0x90000049  }
0xb8: {  	s29 =	simm.s32 $0xA;
	_ =	strace $0x8000004B  }
0xb9: {  	_ =	swait.ge [sflag:s29], $0x1  }
0xba: {  	[sflag:s29] =	ssyncadd.s32 $0xFFFFFFFF  }
0xbb: {  	_ =	strace $0x9000004B  }
0xbc: {  	_ =	sfence  }
0xbd: {  	s30 =	sld [smem:$0x0];
	_ =	sdelay $0x2  }
0xbe: {  	s31 =	sshll.u32 s1, $0xD;
	s1 =	sshrl.u32 s1, $0x2  }
0xbf: {  	s3 =	sand.u32 $0x4000, s31;
	s1 =	sadd.s32 s1, s30  }
0xc0: {  	s0 =	sor.u32 s3, s0;
	s1 =	sshll.u32 s1, $0x11  }
0xc1: {  	s0 =	sor.u32 s1, s0  }
0xc2: {  	s0 =	sadd.s32 $0x8F2B, s0  }
0xc3: {  	[sflag:s0] =	ssyncadd.remote.s32 $0x1  }
0xc4: {  	_ =	sfence.sel $0xFFFF  }
0xc5: {  	[dreg:$0x0] =	wrdreg $0xFFFFFFFF;
	(pc) =	sbr.abs _section_cstart, $3  }
0xc6: {  	[dreg:$0x1] =	wrdreg $0xFFFFFFFF  }
0xc7: {  	_ =	task.clear_ibuf [dreg:s7], $0x2FFFF;
	_ =	strace $0x9FFFFFFF  }
0xc8: {  	(tm) =	ssettm $0x7FFFFFFF  }
0xc9: {  	_ =	shalt  }
tec
execute0_lowered:
.L_overlay_start_1:
0x0: {  	(tag) =	ssettag $0x1  }
0x1: {  	s7 =	rddreg [dreg:$0x0]  }
0x2: {  	s2 =	rddreg [dreg:$0x1]  }
0x3: {  	s0 =	rddreg [dreg:$0x2]  }
0x4: {  	s1 =	srdreg.scid;
	_ =	strace $0x8000004A;
	s4 =	simm.s32 $0x1  }
0x5: {  	s9 =	simm.s32 $0x3;
	s11 =	simm.s32 $0x0;
	s5 =	sshll.u32 s1, $0x4  }
.Ltmp0:
0x6: {  	s1 =	stileid.u32;
	s5 =	sand.u32 $0x10, s5;
	(pc) =	sbr.rel .LBB2_1-.Ltmp0, $4  }
0x7: {  	p0 =	por $0x0, $0x0;
	s3 =	sadd.s32 $0x6A71200, s7;
	s6 =	sor.u32 s1, s5  }
0x8: {  	[sflag:s4] =	ssyncpa.u1 $0x0;
	s5 =	simm.s32 $0x2;
	s6 =	sshll.u32 s6, $0xE  }
0x9: {  	s7 =	sadd.s32 $0x3671200, s7;
	[sflag:s5] =	ssyncpa.u1 $0x0;
	s8 =	sadd.s32 $0x4000, s6  }
0xa: {  	vm0 =	vmmov $0xff;
	vm1 =	vcmask $0x3F20;
	[sflag:s9] =	ssyncpa.u1 $0x0;
	s10 =	smov.u32 s6;
	s9 =	simm.s32 $0x0  }
.LBB2_7:
0xb: {  	p1 =	slt.u32 s9, $0x2;
	s11 =	sadd.s32 $0x100, s10  }
0xc: {  	s13 =	smov.u32 s6;
	s9 =	sadd.s32 $0x1, s9;
	p2 =	slt.s32 s11, s8  }
0xd: {  	s13 =	smov.u32 @p2 s11;
	p2 =	sne.s32 s9, $0x42  }
.Ltmp1:
0xe: {  	_ = 	snop;
	(pc) =	sbr.rel @!p2 .LBB2_8-.Ltmp1, $4  }
0xf: {  	s12 =	simm.s32 @!p1 $0x3  }
0x10: {  	_ =	swait.ge @!p1 [sflag:s12], $0x8000  }
0x11: {  	p0 =	por !p0, !p0;
	[sflag:s12] =	ssyncset.done @!p1 $0x0  }
0x12: {  	s11 =	smov.u32 s10;
	s10 =	smov.u32 s13;
	[sflag:s12] =	ssyncadd.s32 @!p1 $0xFFFF8000  }
.LBB2_1:
0x13: {  	p1 =	sgt.u32 s9, $0x3F  }
0x14: {  	s12 =	sxor.u32 @!p1 $0xFFFFFFFF, s9  }
0x15: {  	s13 =	sshrl.u32 @!p1 s10, $0x3;
	s12 =	sshll.u32 @!p1 s12, $0x8  }
0x16: {  	s14 =	sand.u32 @!p1 $0x7, s10;
	s13 =	sadd.s32 @!p1 s2, s13;
	s12 =	sand.u32 @!p1 $0x100, s12  }
0x17: {  	[tilespmem:s12], [sflag:$0x2] =	stream.linear.gather @!p1 [hbm4b:s13+s14], $0x100, $0x38;
	[tilespmem:$0x10200] =	vst v63  }
0x18: {  	p1 =	seq.s32 s9, $0x0  }
0x19: {  	p2 =	seq.s32 @!p1 s9, $0x41  }
0x1a: {  	p1 =	por p1, p2  }
.Ltmp2:
0x1b: {  	_ = 	snop;
	(pc) =	sbr.rel @p1 .LBB2_7-.Ltmp2, $1  }
0x1c: {  	_ =	sdelay $0x3  }
0x1d: {  	s12 =	simm.s32 $0x1  }
0x1e: {  	_ =	swait.ge [sflag:s5], $0x100;
	s12 =	simm.s32 @!p0 $0x0  }
0x1f: {  	[sflag:s5] =	ssyncset.done $0x0;
	s14 =	sshll.u32 s12, $0x8  }
0x20: {  	[sflag:s5] =	ssyncadd.s32 $0xFFFFFF00;
	s13 =	sadd.s32 $0x0, s14  }
0x21: {  	v0 =	vld.msk [tilespmem:s13+$0x0 ss:$0x1], $0xffff;
	_ =	sdelay $0x4  }
0x22: {  	v1 =	vand.u32 $0xFFF, v0;
	v2 =	vshrl.u32 v0, $0x5  }
0x23: {  	vm2 =	veq.s32 v0, $0x80000000;
	v0 =	vmul.u32 $0x34000, v1;
	v1 =	vand.u32 $0x3FF80, v2  }
0x24: {  	v1 =	vsel vm2, $0xFFFFFF80, v1  }
0x25: {  	v0 =	vsel vm2, $0xFFFCC000, v0;
	v2 =	vand.u32 $0xFFFFFC00, v1  }
0x26: {  	v1 =	vand.u32 $0x380, v1;
	v0 =	vadd.s32 v0, v2  }
0x27: {  	v0 =	vor.u32 v1, v0  }
0x28: {  	v0 =	vshrl.u32 v0, $0x3;
	_ =	sdelay $0x2  }
0x29: {  	s12 =	sshll.u32 s12, $0xF  }
0x2a: {  	s12 =	sor.u32 $0x200, s12  }
0x2b: {  	[tilespmem:s12], [sflag:$0x1] =	stream.indirect_vreg.gather [hbm:s3], $0x80, v0, vm0, $0x38;
	[tilespmem:$0x10200] =	vst v63  }
0x2c: {  	s15 =	sadd.s32 $0x10, s14;
	s13 =	sadd.s32 $0x400, s12  }
0x2d: {  	[tilespmem:s13], [sflag:$0x1] =	stream.indirect_vreg.gather [hbm:s3], $0x80, v0, vm1, $0x38;
	[tilespmem:$0x10200] =	vst v63  }
0x2e: {  	s16 =	simm.s32 $0x80;
	v0 =	vld.msk [tilespmem:s15+$0x0 ss:$0x1], $0xffff;
	s15 =	smov.u32 s12  }
.LBB2_3:
0x2f: {  	p1 =	sne.s32 s16, $0x3C0;
	_ =	sdelay $0x4  }
0x30: {  	v1 =	vand.u32 $0xFFF, v0;
	v2 =	vshrl.u32 v0, $0x5  }
0x31: {  	vm2 =	veq.s32 v0, $0x80000000;
	v0 =	vmul.u32 $0x34000, v1;
	v1 =	vand.u32 $0x3FF80, v2  }
0x32: {  	v1 =	vsel vm2, $0xFFFFFF80, v1  }
0x33: {  	v0 =	vsel vm2, $0xFFFCC000, v0;
	v2 =	vand.u32 $0xFFFFFC00, v1  }
0x34: {  	v1 =	vand.u32 $0x380, v1;
	v0 =	vadd.s32 v0, v2  }
0x35: {  	v0 =	vor.u32 v1, v0  }
0x36: {  	v0 =	vshrl.u32 v0, $0x3;
	_ =	sdelay $0x3  }
.Ltmp3:
0x37: {  	s17 =	sshra.s32 s16, $0x2;
	s15 =	sadd.s32 $0x800, s15;
	(pc) =	sbr.rel @p1 .LBB2_3-.Ltmp3, $4  }
0x38: {  	[tilespmem:s15], [sflag:$0x1] =	stream.indirect_vreg.gather [hbm:s3], $0x80, v0, vm0, $0x38;
	[tilespmem:$0x10200] =	vst v63  }
0x39: {  	s17 =	sadd.s32 s17, s14;
	s18 =	sadd.s32 $0x400, s15  }
0x3a: {  	[tilespmem:s18], [sflag:$0x1] =	stream.indirect_vreg.gather [hbm:s3], $0x80, v0, vm1, $0x38;
	[tilespmem:$0x10200] =	vst v63  }
0x3b: {  	s16 =	sadd.s32 $0x40, s16;
	v0 =	vld.msk [tilespmem:s17+$0x0 ss:$0x1], $0xffff  }
0x3c: {  	_ =	sdelay $0x3  }
0x3d: {  	v1 =	vand.u32 $0xFFF, v0;
	v2 =	vshrl.u32 v0, $0x5  }
0x3e: {  	vm2 =	veq.s32 v0, $0x80000000;
	v61 =	vmul.u32 $0x34000, v1;
	v62 =	vand.u32 $0x3FF80, v2  }
0x3f: {  	v1 =	vsel vm2, $0xFFFFFF80, v62  }
0x40: {  	v0 =	vsel vm2, $0xFFFCC000, v61;
	v63 =	vand.u32 $0xFFFFFC00, v1  }
0x41: {  	v1 =	vand.u32 $0x380, v1;
	v0 =	vadd.s32 v0, v63  }
0x42: {  	v0 =	vor.u32 v1, v0  }
0x43: {  	v0 =	vshrl.u32 v0, $0x3;
	_ =	sdelay $0x3  }
0x44: {  	s14 =	sadd.s32 $0x800, s15  }
0x45: {  	[tilespmem:s14], [sflag:$0x1] =	stream.indirect_vreg.gather [hbm:s3], $0x80, v0, vm0, $0x38;
	[tilespmem:$0x10200] =	vst v63  }
0x46: {  	s14 =	sadd.s32 $0x400, s14  }
0x47: {  	[tilespmem:s14], [sflag:$0x1] =	stream.indirect_vreg.gather [hbm:s3], $0x80, v0, vm1, $0x38;
	[tilespmem:$0x10200] =	vst v63  }
0x48: {  	s11 =	sshll.u32 s11, $0x4;
	_ =	swait.ge [sflag:s4], $0x8000  }
0x49: {  	s11 =	sadd.s32 s11, s7;
	[sflag:s4] =	ssyncset.done $0x0  }
0x4a: {  	s15 =	sadd.s32 $0x0, s11;
	s14 =	simm.s32 $0x80;
	[sflag:s4] =	ssyncadd.s32 $0xFFFF8000  }
.LBB2_5:
0x4b: {  	[hbm:s15] =	stream.linear.scatter [tilespmem:s12], [sflag:$0x3], $0x400, $0x38;
	[tilespmem:$0x10200] =	vst v63  }
0x4c: {  	s15 =	smov.u32 s14;
	s12 =	smov.u32 s13;
	p1 =	sne.s32 s14, $0xF80  }
.Ltmp4:
0x4d: {  	s14 =	sadd.s32 $0x80, s14;
	(pc) =	sbr.rel @p1 .LBB2_5-.Ltmp4, $2  }
0x4e: {  	_ =	sdelay $0x2  }
0x4f: {  	s13 =	sadd.s32 $0x400, s13;
	s15 =	sadd.s32 s15, s11  }
.Ltmp5:
0x50: {  	(pc) =	sbr.rel .LBB2_7-.Ltmp5, $2  }
0x51: {  	_ =	sdelay $0x2  }
0x52: {  	[hbm:s15] =	stream.linear.scatter [tilespmem:s12], [sflag:$0x3], $0x400, $0x38;
	[tilespmem:$0x10200] =	vst v63  }
.LBB2_8:
0x53: {  	_ =	sfence.sel $0x180000  }
0x54: {  	s2 =	simm.s32 $0x2;
	[bflag:$0x0] =	sbarrier.arrive $0xFFFF  }
0x55: {  	s30 =	simm.s32 $0x3;
	[sflag:s2] =	ssyncpa.u1 $0x1  }
0x56: {  	s31 =	simm.s32 $0x1;
	[sflag:s30] =	ssyncpa.u1 $0x1  }
0x57: {  	[sflag:s31] =	ssyncpa.u1 $0x1  }
0x58: {  	p0 =	sne.s32 s1, $0x0;
	_ =	strace $0x9000004A  }
0x59: {  	s0 =	sadd.s32 @!p0 $0x100000, s0;
	[bflag:$0x2] =	sbarrier.arrive $0xFFFF  }
0x5a: {  	[sflag:s0] =	ssyncadd.tile.s32 @!p0 $0x1;
	_ =	shalt  }
.Lfunc_end2:
_tile_overlayer_lowered:
.L_overlay_start_2:
0x5b: {  	(tag) =	ssettag $0x2  }
0x5c: {  	s0 =	rddreg [dreg:$0x0];
	s2 =	stileid.u32  }
0x5d: {  	s1 =	rddreg [dreg:$0x1];
	p0 =	sne.s32 s2, $0x0  }
0x5e: {  	s3 =	rddreg [dreg:$0x2];
	[bflag:$0x3] =	sbarrier.arrive $0xFFFF;
	s2 =	simm.s32 @!p0 $0x1C01  }
0x5f: {  	[timem:s3], [sflag:s2] =	dma.local @!p0 [hbm:s0], s1  }
0x60: {  	s0 =	simm.s32 @!p0 $0x1  }
0x61: {  	_ =	swait.ge @!p0 [sflag:s0], s1  }
0x62: {  	s1 =	ssub.s32 @!p0 $0x0, s1;
	[sflag:s0] =	ssyncset.done @!p0 $0x0  }
0x63: {  	[sflag:s0] =	ssyncadd.s32 @!p0 s1  }
0x64: {  	[bflag:$0x3] =	sbarrier.arrive $0xFFFF  }
0x65: {  	_ =	shalt  }

// kernel: sparse-core-data-format-call.1.cloned.1.call-start
scs
called_computation.1_lowered:
.L_overlay_start_0:
0x0: {  	s2 =	sld [smem:$0x3FD9]  }
0x1: {  	s3 =	sld [smem:$0x3FFE];
	_ =	sdelay $0x1  }
0x2: {  	s1 =	srdreg.scid  }
0x3: {  	s0 =	sand.u32 $0x1, s1  }
0x4: {  	s18 =	sshll.u32 s0, $0xA;
	s2 =	sadd.s32 s3, s2  }
0x5: {  	s2 =	sadd.s32 s2, s18  }
0x6: {  	[smem:$0x3FC5] =	sst s2  }
0x7: {  	_ = 	snop  }
0x8: {  	(tm) =	ssettm $0x1  }
0x9: {  	s19 =	sld [smem:$0x3FFB];
	_ =	sdelay $0x3  }
0xa: {  	_ =	strace s19  }
0xb: {  	s2 =	sld [smem:$0x3FFC];
	_ =	sdelay $0x3  }
0xc: {  	_ =	strace s2  }
0xd: {  	s2 =	sld [smem:$0x3FFD];
	_ =	sdelay $0x3  }
0xe: {  	_ =	strace s2  }
0xf: {  	_ =	strace $0x8FFFFFFF  }
0x10: {  	s20 =	sld [smem:$0x3FDB];
	_ =	sdelay $0x1  }
0x11: {  	s21 =	simm.s32 $_scs_section_size  }
0x12: {  	s4 =	simm.s32 $_size__tile_overlayer_lowered;
	s5 =	simm.s32 $_tile_overlayer_lowered  }
0x13: {  	s6 =	simm.s32 $0x1BFF;
	s22 =	sshll.u32 s5, $0x1;
	s3 =	sadd.s32 s21, s20  }
0x14: {  	s23 =	simm.s32 $0x0;
	s4 =	sshll.u32 s4, $0x1;
	s5 =	sadd.s32 s22, s3  }
0x15: {  	[timem:s23], [sflag:s6] =	dma.local [hbm:s5], s4  }
0x16: {  	_ =	swait.ge [sflag:s6], s4  }
0x17: {  	s4 =	ssub.s32 $0x0, s4;
	[sflag:s6] =	ssyncset.done $0x0  }
0x18: {  	[sflag:s6] =	ssyncadd.s32 s4;
	_ =	sdelay $0x1  }
0x19: {  	s24 =	simm.s32 $0x1B8B  }
0x1a: {  	_ =	swait.ge [sflag:s24], $0x1  }
0x1b: {  	[sflag:s24] =	ssyncset.done $0x0  }
0x1c: {  	[sflag:s24] =	ssyncadd.s32 $0xFFFFFFFF  }
0x1d: {  	s4 =	sld [smem:$0x0]  }
0x1e: {  	s5 =	sand.u32 $0xFFFFFFFE, s1  }
0x1f: {  	p0 =	sne.s32 s1, s5  }
0x20: {  	s5 =	sshll.u32 @p0 s5, $0xE  }
0x21: {  	s5 =	sadd.s32 @p0 $0x11B8D, s5;
	s6 =	sshll.u32 @p0 s4, $0x11  }
0x22: {  	s5 =	sor.u32 @p0 s6, s5  }
0x23: {  	[sflag:s5] =	ssyncadd.remote.s32 @p0 $0x1;
	_ =	sdelay $0x1  }
0x24: {  	s5 =	simm.s32 @p0 $0x1B8D  }
0x25: {  	_ =	swait.eq @p0 [sflag:s5], $0x1  }
0x26: {  	[sflag:s5] =	ssyncadd.s32 @p0 $0xFFFFFFFF  }
0x27: {  	s6 =	sshll.u32 @!p0 s1, $0xE  }
0x28: {  	s6 =	sor.u32 @!p0 $0x4000, s6;
	s5 =	simm.s32 @!p0 $0x1B8D  }
0x29: {  	s4 =	sshll.u32 @!p0 s4, $0x11;
	s6 =	sadd.s32 @!p0 $0x11B8D, s6;
	_ =	swait.eq @!p0 [sflag:s5], $0x1  }
0x2a: {  	s4 =	sor.u32 @!p0 s4, s6;
	[sflag:s5] =	ssyncadd.s32 @!p0 $0xFFFFFFFF  }
0x2b: {  	s26 =	simm.s32 $0x1B8E;
	s25 =	sld [smem:$0x3FFE];
	[sflag:s4] =	ssyncadd.remote.s32 @!p0 $0x1  }
0x2c: {  	s27 =	simm.s32 $execute0_lowered;
	[smem:$0x3FD2] =	sst s26  }
0x2d: {  	s5 =	sshll.u32 s27, $0x1;
	_ =	strace $0x8000004F;
	[dreg:$0x1] =	wrdreg $0xFFFFFFFF  }
0x2e: {  	s28 =	simm.s32 $_size_execute0_lowered;
	s3 =	sadd.s32 s3, s5;
	[dreg:$0x0] =	wrdreg $0x0  }
0x2f: {  	s5 =	sshll.u32 s28, $0x1;
	[dreg:$0x2] =	wrdreg s3  }
0x30: {  	[dreg:$0x3] =	wrdreg s5  }
0x31: {  	[dreg:$0x4] =	wrdreg $0xC0  }
0x32: {  	_ =	task [dreg:s23], $0x5FFFF  }
0x33: {  	[dreg:$0x1] =	wrdreg $0xFFFFFFFF  }
0x34: {  	[dreg:$0x0] =	wrdreg $0x60  }
0x35: {  	[dreg:$0x2] =	wrdreg s25  }
0x36: {  	[dreg:$0x3] =	wrdreg $0xA  }
0x37: {  	_ =	task.clear_ibuf [dreg:s23], $0x4FFFF;
	_ =	strace $0x9000004F  }
0x38: {  	s29 =	simm.s32 $0xA;
	_ =	strace $0x80000051  }
0x39: {  	_ =	swait.ge [sflag:s29], $0x1  }
0x3a: {  	[sflag:s29] =	ssyncadd.s32 $0xFFFFFFFF  }
0x3b: {  	_ =	strace $0x90000051  }
0x3c: {  	_ =	sfence  }
0x3d: {  	s30 =	sld [smem:$0x0];
	_ =	sdelay $0x2  }
0x3e: {  	s31 =	sshll.u32 s1, $0xD;
	s1 =	sshrl.u32 s1, $0x2  }
0x3f: {  	s4 =	sand.u32 $0x4000, s31;
	s1 =	sadd.s32 s1, s30  }
0x40: {  	s0 =	sor.u32 s4, s0;
	s1 =	sshll.u32 s1, $0x11  }
0x41: {  	s0 =	sor.u32 s1, s0  }
0x42: {  	s0 =	sadd.s32 $0x8F2B, s0  }
0x43: {  	[sflag:s0] =	ssyncadd.remote.s32 $0x1  }
0x44: {  	_ =	sfence.sel $0xFFFF  }
0x45: {  	[dreg:$0x0] =	wrdreg $0xFFFFFFFF;
	(pc) =	sbr.abs _section_cstart, $3  }
0x46: {  	[dreg:$0x1] =	wrdreg $0xFFFFFFFF  }
0x47: {  	_ =	task.clear_ibuf [dreg:s23], $0x2FFFF;
	_ =	strace $0x9FFFFFFF  }
0x48: {  	(tm) =	ssettm $0x7FFFFFFF  }
0x49: {  	_ =	shalt  }
tec
execute0_lowered:
.L_overlay_start_1:
0x0: {  	(tag) =	ssettag $0x1  }
0x1: {  	s0 =	srdreg.scid  }
0x2: {  	s1 =	sshll.u32 s0, $0x4  }
0x3: {  	s6 =	rddreg [dreg:$0x0];
	s0 =	stileid.u32;
	s1 =	sand.u32 $0x10, s1  }
0x4: {  	s5 =	simm.s32 $0x1;
	s31 =	simm.s32 $0x2;
	s1 =	sor.u32 s0, s1  }
0x5: {  	s12 =	simm.s32 $0x0;
	s8 =	simm.s32 $0x8000;
	s2 =	sshll.u32 s1, $0x7  }
0x6: {  	s13 =	simm.s32 $0x0;
	s9 =	simm.s32 $0x0;
	s3 =	ssub.s32 $0x1000, s2  }
0x7: {  	s11 =	simm.s32 $0x0;
	s1 =	rddreg [dreg:$0x1];
	s4 =	sand.u32 $0xF80, s3  }
.Ltmp0:
0x8: {  	_ =	strace $0x80000050;
	p0 =	sne.s32 s4, $0x0;
	(pc) =	sbr.rel .LBB1_1-.Ltmp0, $4  }
0x9: {  	s10 =	smov.u32 s2;
	s7 =	sshrl.u32 s3, $0xC;
	s5 =	simm.s32 @!p0 $0x0  }
0xa: {  	s3 =	sadd.s32 $0x3671200, s6;
	s4 =	simm.s32 $0x1;
	s5 =	sadd.s32 s5, s7  }
0xb: {  	s6 =	sadd.s32 $0x1200, s6;
	[sflag:s4] =	ssyncpa.u1 $0x0;
	s5 =	sshll.u32 s5, $0x7  }
0xc: {  	p0 =	por $0x0, $0x0;
	[sflag:s31] =	ssyncpa.u1 $0x0;
	s7 =	sor.u32 $0x1, s5  }
.LBB1_4:
0xd: {  	s16 =	sshll.u32 s13, $0x3;
	s17 =	sand.u32 $0x78, s13  }
0xe: {  	s30 =	sand.u32 $0x7E00, s13;
	s12 =	sshll.u32 s12, $0xF;
	s16 =	sand.u32 $0xC00, s16  }
0xf: {  	[tilespmem:s15+$0x810 ss:$0x81] =	vst.msk $0xffff, v2;
	s31 =	sand.u32 $0x7, s13;
	s16 =	sor.u32 s17, s16;
	s17 =	sadd.s32 s6, s30  }
0x10: {  	[tilespmem:s15+$0x1020 ss:$0x81] =	vst.msk $0xffff, v0;
	s13 =	sshll.u32 s31, $0x12;
	s12 =	sadd.s32 s12, s17;
	s16 =	sshrl.u32 s16, $0x3  }
0x11: {  	[tilespmem:s15+$0x0 ss:$0x81] =	vst.msk $0xffff, v1;
	s13 =	sor.u32 $0x400, s13;
	s12 =	sadd.s32 s16, s12  }
0x12: {  	[hbm4b:s12+s13] =	stream.strided.scatter [tilespmem:s14], [sflag:$0x2], $0x2000, s8, s13, $0x20;
	[tilespmem:$0x8080] =	vst v63  }
.LBB1_5:
0x13: {  	s14 =	sadd.s32 $0x1, s9  }
0x14: {  	s12 =	sadd.s32 $0x1000, s10;
	s16 =	smov.u32 s10;
	p2 =	sgt.s32 s14, $0x7F  }
0x15: {  	s16 =	smov.u32 @p2 s12  }
0x16: {  	s14 =	simm.s32 @p2 $0x0;
	p2 =	sgt.s32 s16, $0xFFF  }
0x17: {  	s16 =	smov.u32 @p2 s2;
	p2 =	sne.s32 s11, s7  }
.Ltmp1:
0x18: {  	p1 =	slt.u32 s11, $0x2;
	(pc) =	sbr.rel @!p2 .LBB1_6-.Ltmp1, $4  }
0x19: {  	s15 =	simm.s32 @!p1 $0x2  }
0x1a: {  	s13 =	smov.u32 s10;
	p0 =	por !p0, !p0;
	_ =	swait.ge @!p1 [sflag:s15], $0x2000  }
0x1b: {  	s12 =	smov.u32 s9;
	[sflag:s15] =	ssyncset.done @!p1 $0x0;
	s9 =	smov.u32 s14  }
0x1c: {  	s11 =	sadd.s32 $0x1, s11;
	[sflag:s15] =	ssyncadd.s32 @!p1 $0xFFFFE000;
	s10 =	smov.u32 s16  }
.LBB1_1:
0x1d: {  	p1 =	sge.u32 s11, s5  }
0x1e: {  	s31 =	sadd.s32 $0xFFFFFFFF, s11;
	s14 =	sxor.u32 @!p1 $0xFFFFFFFF, s11  }
0x1f: {  	s15 =	sshll.u32 @!p1 s10, $0xB;
	s16 =	sshll.u32 @!p1 s9, $0x4;
	s17 =	simm.s32 @!p1 $0x4000  }
0x20: {  	s14 =	sshll.u32 @!p1 s14, $0xD;
	s16 =	sand.u32 @!p1 $0x7F0, s16;
	s15 =	sadd.s32 @!p1 s3, s15  }
0x21: {  	s14 =	sand.u32 @!p1 $0x2000, s14;
	s15 =	sadd.s32 @!p1 s16, s15;
	s16 =	simm.s32 @!p1 $0x40  }
0x22: {  	[tilespmem:s14], [sflag:$0x1] =	stream.strided.gather @!p1 [hbm4b:s15+s16], $0x2000, s17, s16, $0x38;
	[tilespmem:$0x8080] =	vst v63  }
0x23: {  	p1 =	sge.u32 s31, s5  }
.Ltmp2:
0x24: {  	_ = 	snop;
	(pc) =	sbr.rel @p1 .LBB1_5-.Ltmp2, $1  }
0x25: {  	_ =	sdelay $0x3  }
0x26: {  	s14 =	simm.s32 $0x1  }
0x27: {  	_ =	swait.ge [sflag:s4], $0x2000;
	s14 =	simm.s32 @!p0 $0x0  }
0x28: {  	[sflag:s4] =	ssyncset.done $0x0;
	s15 =	sshll.u32 s14, $0xD  }
0x29: {  	[sflag:s4] =	ssyncadd.s32 $0xFFFFE000;
	s18 =	sor.u32 $0x20, s15  }
0x2a: {  	s14 =	smul.u32 $0x8100, s14;
	v3 =	vld [tilespmem:s18+$0x10]  }
0x2b: {  	s30 =	sand.u32 $0x1, s11;
	v2 =	vld [tilespmem:s18+$0xFFFFFFF0]  }
0x2c: {  	s15 =	smul.u32 $0x8100, s30;
	s14 =	sshrl.u32 s14, $0x2;
	v0 =	vld [tilespmem:s18+$0x0]  }
0x2d: {  	v1 =	vld [tilespmem:s18+$0xFFFFFFE0];
	s16 =	sor.u32 $0x4000, s14  }
0x2e: {  	s31 =	sshrl.u32 s15, $0x2;
	s15 =	sadd.s32 $0x0, s16  }
0x2f: {  	s17 =	simm.s32 $0x4;
	s18 =	sadd.s32 $0x40, s18;
	s14 =	sor.u32 $0x4000, s31;
	[tilespmem:s15+$0x1830 ss:$0x81] =	vst.msk $0xffff, v3  }
.LBB1_3:
0x30: {  	v3 =	vld [tilespmem:s18+$0x10];
	p1 =	sne.s32 s17, $0x1FC;
	[tilespmem:s15+$0x810 ss:$0x81] =	vst.msk $0xffff, v2;
	s19 =	smov.u32 s17;
	s17 =	sadd.s32 $0x4, s17  }
.Ltmp3:
0x31: {  	v2 =	vld [tilespmem:s18+$0xFFFFFFF0];
	[tilespmem:s15+$0x1020 ss:$0x81] =	vst.msk $0xffff, v0;
	(pc) =	sbr.rel @p1 .LBB1_3-.Ltmp3, $4  }
0x32: {  	v0 =	vld [tilespmem:s18+$0x0];
	[tilespmem:s15+$0x0 ss:$0x81] =	vst.msk $0xffff, v1  }
0x33: {  	s15 =	sshra.s32 s19, $0x2;
	v1 =	vld [tilespmem:s18+$0xFFFFFFE0]  }
0x34: {  	s15 =	sadd.s32 s15, s16  }
0x35: {  	s18 =	sadd.s32 $0x40, s18;
	[tilespmem:s15+$0x1830 ss:$0x81] =	vst.msk $0xffff, v3  }
.Ltmp4:
0x36: {  	_ = 	snop;
	(pc) =	sbr.rel .LBB1_4-.Ltmp4, $1  }
0x37: {  	_ =	sdelay $0x3  }
.LBB1_6:
0x38: {  	_ =	sfence.sel $0x180000  }
0x39: {  	s2 =	simm.s32 $0x1;
	[bflag:$0x0] =	sbarrier.arrive $0xFFFF  }
0x3a: {  	s31 =	simm.s32 $0x2;
	[sflag:s2] =	ssyncpa.u1 $0x1  }
0x3b: {  	[sflag:s31] =	ssyncpa.u1 $0x1  }
0x3c: {  	p0 =	sne.s32 s0, $0x0;
	_ =	strace $0x90000050  }
0x3d: {  	s0 =	sadd.s32 @!p0 $0x100000, s1;
	[bflag:$0x2] =	sbarrier.arrive $0xFFFF  }
0x3e: {  	[sflag:s0] =	ssyncadd.tile.s32 @!p0 $0x1;
	_ =	shalt  }
.Lfunc_end1:
_tile_overlayer_lowered:
.L_overlay_start_2:
0x3f: {  	(tag) =	ssettag $0x2  }
0x40: {  	s0 =	rddreg [dreg:$0x0];
	s2 =	stileid.u32  }
0x41: {  	s1 =	rddreg [dreg:$0x1];
	p0 =	sne.s32 s2, $0x0  }
0x42: {  	s3 =	rddreg [dreg:$0x2];
	[bflag:$0x3] =	sbarrier.arrive $0xFFFF;
	s2 =	simm.s32 @!p0 $0x1C01  }
0x43: {  	[timem:s3], [sflag:s2] =	dma.local @!p0 [hbm:s0], s1  }
0x44: {  	s0 =	simm.s32 @!p0 $0x1  }
0x45: {  	_ =	swait.ge @!p0 [sflag:s0], s1  }
0x46: {  	s1 =	ssub.s32 @!p0 $0x0, s1;
	[sflag:s0] =	ssyncset.done @!p0 $0x0  }
0x47: {  	[sflag:s0] =	ssyncadd.s32 @!p0 s1  }
0x48: {  	[bflag:$0x3] =	sbarrier.arrive $0xFFFF  }
0x49: {  	_ =	shalt  }

// kernel: sparse-core-data-format-call.2.cloned.1.call-start
scs
called_computation.2_lowered:
.L_overlay_start_0:
0x0: {  	s1 =	sld [smem:$0x3FD9]  }
0x1: {  	s2 =	sld [smem:$0x3FFE];
	_ =	sdelay $0x1  }
0x2: {  	s3 =	srdreg.scid  }
0x3: {  	s0 =	sand.u32 $0x1, s3  }
0x4: {  	s17 =	sshll.u32 s0, $0xA;
	s1 =	sadd.s32 s2, s1  }
0x5: {  	s1 =	sadd.s32 s1, s17  }
0x6: {  	[smem:$0x3FC5] =	sst s1  }
0x7: {  	_ = 	snop  }
0x8: {  	(tm) =	ssettm $0x1  }
0x9: {  	s18 =	sld [smem:$0x3FFB];
	_ =	sdelay $0x3  }
0xa: {  	_ =	strace s18  }
0xb: {  	s1 =	sld [smem:$0x3FFC];
	_ =	sdelay $0x3  }
0xc: {  	_ =	strace s1  }
0xd: {  	s1 =	sld [smem:$0x3FFD];
	_ =	sdelay $0x3  }
0xe: {  	_ =	strace s1  }
0xf: {  	_ =	strace $0x8FFFFFFF  }
0x10: {  	s19 =	sld [smem:$0x3FDB];
	_ =	sdelay $0x1  }
0x11: {  	s20 =	simm.s32 $_scs_section_size  }
0x12: {  	s4 =	simm.s32 $_size__tile_overlayer_lowered;
	s5 =	simm.s32 $_tile_overlayer_lowered  }
0x13: {  	s23 =	simm.s32 $0x1BFF;
	s22 =	sshll.u32 s5, $0x1;
	s1 =	sadd.s32 s20, s19  }
0x14: {  	s6 =	simm.s32 $0x0;
	s21 =	sshll.u32 s4, $0x1;
	s4 =	sadd.s32 s22, s1  }
0x15: {  	[timem:s6], [sflag:s23] =	dma.local [hbm:s4], s21  }
0x16: {  	_ =	swait.ge [sflag:s23], s21  }
0x17: {  	s2 =	ssub.s32 $0x0, s21;
	[sflag:s23] =	ssyncset.done $0x0  }
0x18: {  	[sflag:s23] =	ssyncadd.s32 s2;
	_ =	sdelay $0x1  }
0x19: {  	s24 =	simm.s32 $0x1B8B  }
0x1a: {  	_ =	swait.ge [sflag:s24], $0x1  }
0x1b: {  	[sflag:s24] =	ssyncset.done $0x0  }
0x1c: {  	s26 =	simm.s32 $0x1B8E;
	s25 =	sld [smem:$0x3FFE];
	[sflag:s24] =	ssyncadd.s32 $0xFFFFFFFF  }
0x1d: {  	s27 =	simm.s32 $execute0_lowered;
	[smem:$0x3FD2] =	sst s26  }
0x1e: {  	s4 =	sshll.u32 s27, $0x1;
	_ =	strace $0x80000046;
	[dreg:$0x1] =	wrdreg $0xFFFFFFFF  }
0x1f: {  	s28 =	simm.s32 $_size_execute0_lowered;
	s1 =	sadd.s32 s1, s4;
	[dreg:$0x0] =	wrdreg $0x0  }
0x20: {  	s4 =	sshll.u32 s28, $0x1;
	[dreg:$0x2] =	wrdreg s1  }
0x21: {  	[dreg:$0x3] =	wrdreg s4  }
0x22: {  	[dreg:$0x4] =	wrdreg $0xC0  }
0x23: {  	_ =	task [dreg:s6], $0x5FFFF  }
0x24: {  	[dreg:$0x1] =	wrdreg $0xFFFFFFFF  }
0x25: {  	[dreg:$0x0] =	wrdreg $0x60  }
0x26: {  	[dreg:$0x2] =	wrdreg s25  }
0x27: {  	[dreg:$0x3] =	wrdreg $0x9  }
0x28: {  	_ =	task.clear_ibuf [dreg:s6], $0x4FFFF;
	_ =	strace $0x90000046  }
0x29: {  	s29 =	simm.s32 $0x9;
	_ =	strace $0x80000048  }
0x2a: {  	_ =	swait.ge [sflag:s29], $0x1  }
0x2b: {  	[sflag:s29] =	ssyncadd.s32 $0xFFFFFFFF  }
0x2c: {  	_ =	strace $0x90000048  }
0x2d: {  	_ =	sfence  }
0x2e: {  	s30 =	sld [smem:$0x0];
	_ =	sdelay $0x2  }
0x2f: {  	s31 =	sshll.u32 s3, $0xD;
	s3 =	sshrl.u32 s3, $0x2  }
0x30: {  	s2 =	sand.u32 $0x4000, s31;
	s1 =	sadd.s32 s3, s30  }
0x31: {  	s0 =	sor.u32 s2, s0;
	s1 =	sshll.u32 s1, $0x11  }
0x32: {  	s0 =	sor.u32 s1, s0  }
0x33: {  	s0 =	sadd.s32 $0x8F2B, s0  }
0x34: {  	[sflag:s0] =	ssyncadd.remote.s32 $0x1  }
0x35: {  	_ =	sfence.sel $0xFFFF  }
0x36: {  	[dreg:$0x0] =	wrdreg $0xFFFFFFFF;
	(pc) =	sbr.abs _section_cstart, $3  }
0x37: {  	[dreg:$0x1] =	wrdreg $0xFFFFFFFF  }
0x38: {  	_ =	task.clear_ibuf [dreg:s6], $0x2FFFF;
	_ =	strace $0x9FFFFFFF  }
0x39: {  	(tm) =	ssettm $0x7FFFFFFF  }
tec
execute0_lowered:
.L_overlay_start_1:
0x0: {  	(tag) =	ssettag $0x1  }
0x1: {  	s1 =	rddreg [dreg:$0x0]  }
0x2: {  	s0 =	rddreg [dreg:$0x1];
	_ =	strace $0x80000047  }
0x3: {  	s4 =	srdreg.scid;
	s6 =	simm.s32 $0x2;
	s12 =	simm.s32 $0x0  }
0x4: {  	p0 =	por $0x0, $0x0;
	s11 =	simm.s32 $0x0;
	s13 =	simm.s32 $0x0  }
.Ltmp0:
0x5: {  	s8 =	simm.s32 $0x0;
	s9 =	simm.s32 $0x0;
	(pc) =	sbr.rel .LBB1_1-.Ltmp0, $4  }
0x6: {  	s2 =	sadd.s32 $0x3671200, s1;
	s3 =	sadd.s32 $0x6A71200, s1;
	s4 =	sshll.u32 s4, $0x4  }
0x7: {  	s1 =	stileid.u32;
	s5 =	sand.u32 $0x10, s4;
	s4 =	simm.s32 $0x1  }
0x8: {  	s7 =	simm.s32 $0x0;
	s5 =	sor.u32 s1, s5;
	[sflag:s4] =	ssyncpa.u1 $0x0  }
0x9: {  	[sflag:s6] =	ssyncpa.u1 $0x0;
	s6 =	simm.s32 $0x34000;
	s10 =	smov.u32 s5  }
.LBB1_5:
0xa: {  	s14 =	sadd.s32 $0x100, s8  }
0xb: {  	s11 =	sadd.s32 $0x40, s9;
	s15 =	smov.u32 s9;
	p2 =	sgt.s32 s14, $0xFFF  }
0xc: {  	s15 =	smov.u32 @p2 s11  }
0xd: {  	s17 =	smov.u32 s10;
	s11 =	sadd.s32 $0x20, s10;
	p3 =	sgt.s32 s15, $0x3F  }
0xe: {  	p1 =	slt.u32 s7, $0x2;
	s17 =	smov.u32 @p3 s11  }
0xf: {  	s7 =	sadd.s32 $0x1, s7;
	s14 =	simm.s32 @p2 $0x0;
	p2 =	sgt.s32 s17, $0x67F  }
0x10: {  	s17 =	smov.u32 @p2 s5;
	p2 =	sne.s32 s7, $0x342  }
.Ltmp1:
0x11: {  	s16 =	simm.s32 @!p1 $0x2;
	(pc) =	sbr.rel @!p2 .LBB1_6-.Ltmp1, $4  }
0x12: {  	s12 =	smov.u32 s8;
	_ =	swait.ge @!p1 [sflag:s16], $0x4000  }
0x13: {  	s13 =	smov.u32 s10;
	p0 =	por !p0, !p0;
	[sflag:s16] =	ssyncset.done @!p1 $0x0  }
0x14: {  	s8 =	smov.u32 s14;
	s15 =	simm.s32 @p3 $0x0;
	s11 =	smov.u32 s9  }
0x15: {  	[sflag:s16] =	ssyncadd.s32 @!p1 $0xFFFFC000;
	s9 =	smov.u32 s15;
	s10 =	smov.u32 s17  }
.LBB1_1:
0x16: {  	p1 =	sgt.u32 s7, $0x33F  }
0x17: {  	s14 =	sxor.u32 @!p1 $0xFFFFFFFF, s7;
	s15 =	sand.u32 @!p1 $0x78, s8;
	s16 =	sshll.u32 @!p1 s9, $0xC  }
0x18: {  	s17 =	sshll.u32 @!p1 s9, $0x7;
	s18 =	sshll.u32 @!p1 s8, $0x3;
	s14 =	sshll.u32 @!p1 s14, $0xE  }
0x19: {  	s16 =	sand.u32 @!p1 $0x38000, s16;
	s17 =	sand.u32 @!p1 $0x380, s17;
	s14 =	sand.u32 @!p1 $0x4000, s14  }
0x1a: {  	s16 =	sadd.s32 @!p1 s16, s18;
	s18 =	sand.u32 @!p1 $0xC00, s18;
	s15 =	sor.u32 @!p1 s17, s15  }
0x1b: {  	s17 =	sshll.u32 @!p1 s10, $0xF;
	s15 =	sor.u32 @!p1 s18, s15;
	s16 =	sshrl.u32 @!p1 s16, $0x3  }
0x1c: {  	s17 =	sadd.s32 @!p1 s2, s17;
	s18 =	sand.u32 @!p1 $0x7, s8;
	s16 =	sand.u32 @!p1 $0x7E00, s16  }
0x1d: {  	s15 =	sshrl.u32 @!p1 s15, $0x3;
	s16 =	sadd.s32 @!p1 s16, s17;
	s17 =	sshll.u32 @!p1 s18, $0x12  }
0x1e: {  	s15 =	sadd.s32 @!p1 s15, s16;
	s16 =	sor.u32 @!p1 $0x800, s17;
	s17 =	simm.s32 @!p1 $0x8000  }
0x1f: {  	[tilespmem:s14], [sflag:$0x1] =	stream.strided.gather @!p1 [hbm4b:s15+s16], $0x4000, s17, s16, $0x38;
	[tilespmem:$0x10200] =	vst v63  }
0x20: {  	p1 =	seq.s32 s7, $0x0  }
0x21: {  	p2 =	seq.s32 @!p1 s7, $0x341  }
0x22: {  	p1 =	por p1, p2  }
.Ltmp2:
0x23: {  	_ = 	snop;
	(pc) =	sbr.rel @p1 .LBB1_5-.Ltmp2, $1  }
0x24: {  	_ =	sdelay $0x3  }
0x25: {  	s17 =	simm.s32 $0x0  }
0x26: {  	s16 =	sand.u32 $0x3800, s17;
	s18 =	sand.u32 $0x380, s17  }
0x27: {  	s14 =	sand.u32 $0x1, s7;
	s16 =	sor.u32 s18, s16  }
0x28: {  	_ =	swait.ge [sflag:s4], $0x4000;
	s15 =	sshll.u32 s14, $0xE;
	s18 =	sand.u32 $0x3B00, s16  }
0x29: {  	[sflag:s4] =	ssyncset.done $0x0;
	s17 =	sand.u32 $0x80, s17;
	s18 =	sadd.s32 s18, s15  }
0x2a: {  	[sflag:s4] =	ssyncadd.s32 $0xFFFFC000;
	s20 =	sadd.s32 s17, s18  }
0x2b: {  	v4 =	vld [tilespmem:s20+$0x400]  }
0x2c: {  	s19 =	simm.s32 $0x1;
	v5 =	vld [tilespmem:s20+$0x0]  }
0x2d: {  	s19 =	simm.s32 @!p0 $0x0;
	v6 =	vld [tilespmem:s20+$0x10]  }
0x2e: {  	v0 =	vmov s15;
	s31 =	smul.u32 $0x10400, s19;
	v7 =	vld [tilespmem:s20+$0x20]  }
0x2f: {  	v9 =	vld [tilespmem:s20+$0x30]  }
0x30: {  	s17 =	sshrl.u32 s31, $0x2;
	v10 =	vld [tilespmem:s20+$0x40]  }
0x31: {  	s17 =	sor.u32 $0x8000, s17;
	v11 =	vld [tilespmem:s20+$0x50]  }
0x32: {  	v8 =	vld [tilespmem:s20+$0x60];
	s18 =	sadd.s32 $0x0, s17  }
0x33: {  	v1 =	vld.idx.msk [tilespmem:v0+s16+$0x410 ss:$0x1], $0xffff;
	[tilespmem:s18+$0x2080 ss:$0x41] =	vst.msk $0xffff, v4  }
0x34: {  	v2 =	vld.idx.msk [tilespmem:v0+s16+$0x420 ss:$0x1], $0xffff;
	[tilespmem:s18+$0x0 ss:$0x41] =	vst.msk $0xffff, v5  }
0x35: {  	v3 =	vld.idx.msk [tilespmem:v0+s16+$0x430 ss:$0x1], $0xffff;
	[tilespmem:s18+$0x410 ss:$0x41] =	vst.msk $0xffff, v6  }
0x36: {  	s14 =	smul.u32 $0x10400, s14;
	[tilespmem:s18+$0x820 ss:$0x41] =	vst.msk $0xffff, v7;
	v7 =	vld [tilespmem:s20+$0x70]  }
0x37: {  	s21 =	simm.s32 $0x100;
	s22 =	simm.s32 $0x8;
	[tilespmem:s18+$0xC30 ss:$0x41] =	vst.msk $0xffff, v9;
	v4 =	vld.idx.msk [tilespmem:v0+s16+$0x440 ss:$0x1], $0xffff  }
0x38: {  	s23 =	sand.u32 $0x3800, s21;
	s14 =	sshrl.u32 s14, $0x2;
	[tilespmem:s18+$0x1040 ss:$0x41] =	vst.msk $0xffff, v10;
	v5 =	vld.idx.msk [tilespmem:v0+s16+$0x450 ss:$0x1], $0xffff;
	s20 =	simm.s32 $0x80  }
0x39: {  	s19 =	simm.s32 $0x4;
	s14 =	sor.u32 $0x8000, s14;
	[tilespmem:s18+$0x1450 ss:$0x41] =	vst.msk $0xffff, v11;
	v6 =	vld.idx.msk [tilespmem:v0+s16+$0x460 ss:$0x1], $0xffff;
	s24 =	sand.u32 $0x380, s20  }
.LBB1_3:
0x3a: {  	p1 =	sne.s32 s22, $0xFC;
	[tilespmem:s18+$0x1860 ss:$0x41] =	vst.msk $0xffff, v8;
	v8 =	vld.idx.msk [tilespmem:v0+s16+$0x470 ss:$0x1], $0xffff;
	s16 =	sor.u32 s24, s23  }
0x3b: {  	s23 =	sand.u32 $0x3B00, s16;
	v9 =	vld.idx.msk [tilespmem:v0+s16+$0x410 ss:$0x1], $0xffff;
	[tilespmem:s18+$0x1C70 ss:$0x41] =	vst.msk $0xffff, v7  }
0x3c: {  	s24 =	sand.u32 $0x80, s20;
	s23 =	sadd.s32 s23, s15;
	v7 =	vld.idx.msk [tilespmem:v0+s16+$0x420 ss:$0x1], $0xffff;
	[tilespmem:s18+$0x2490 ss:$0x41] =	vst.msk $0xffff, v1  }
0x3d: {  	s23 =	sadd.s32 s24, s23;
	v10 =	vld.idx.msk [tilespmem:v0+s16+$0x430 ss:$0x1], $0xffff;
	[tilespmem:s18+$0x28A0 ss:$0x41] =	vst.msk $0xffff, v2  }
0x3e: {  	v11 =	vld [tilespmem:s23+$0x400];
	[tilespmem:s18+$0x2CB0 ss:$0x41] =	vst.msk $0xffff, v3  }
0x3f: {  	v12 =	vld [tilespmem:s23+$0x0];
	[tilespmem:s18+$0x30C0 ss:$0x41] =	vst.msk $0xffff, v4  }
0x40: {  	v4 =	vld [tilespmem:s23+$0x10];
	[tilespmem:s18+$0x34D0 ss:$0x41] =	vst.msk $0xffff, v5  }
0x41: {  	s24 =	sshra.s32 s19, $0x2;
	s19 =	smov.u32 s22;
	v1 =	vmov v9;
	v5 =	vld [tilespmem:s23+$0x20];
	[tilespmem:s18+$0x38E0 ss:$0x41] =	vst.msk $0xffff, v6  }
0x42: {  	v2 =	vmov v7;
	v6 =	vld [tilespmem:s23+$0x30];
	[tilespmem:s18+$0x3CF0 ss:$0x41] =	vst.msk $0xffff, v8;
	s18 =	sadd.s32 s24, s17  }
0x43: {  	v3 =	vmov v10;
	v9 =	vld [tilespmem:s23+$0x40];
	[tilespmem:s18+$0x2080 ss:$0x41] =	vst.msk $0xffff, v11  }
0x44: {  	[tilespmem:s18+$0x0 ss:$0x41] =	vst.msk $0xffff, v12;
	v10 =	vld [tilespmem:s23+$0x50]  }
.Ltmp3:
0x45: {  	[tilespmem:s18+$0x410 ss:$0x41] =	vst.msk $0xffff, v4;
	v8 =	vld [tilespmem:s23+$0x60];
	(pc) =	sbr.rel @p1 .LBB1_3-.Ltmp3, $4  }
0x46: {  	[tilespmem:s18+$0x820 ss:$0x41] =	vst.msk $0xffff, v5;
	v7 =	vld [tilespmem:s23+$0x70]  }
0x47: {  	[tilespmem:s18+$0xC30 ss:$0x41] =	vst.msk $0xffff, v6;
	v4 =	vld.idx.msk [tilespmem:v0+s16+$0x440 ss:$0x1], $0xffff  }
0x48: {  	s20 =	sadd.s32 $0x80, s20;
	s21 =	sadd.s32 $0x100, s21;
	[tilespmem:s18+$0x1040 ss:$0x41] =	vst.msk $0xffff, v9;
	v5 =	vld.idx.msk [tilespmem:v0+s16+$0x450 ss:$0x1], $0xffff  }
0x49: {  	s22 =	sadd.s32 $0x4, s22;
	s24 =	sand.u32 $0x380, s20;
	s23 =	sand.u32 $0x3800, s21;
	[tilespmem:s18+$0x1450 ss:$0x41] =	vst.msk $0xffff, v10;
	v6 =	vld.idx.msk [tilespmem:v0+s16+$0x460 ss:$0x1], $0xffff  }
0x4a: {  	_ =	sdelay $0x3  }
0x4b: {  	s21 =	sor.u32 s24, s23;
	v47 =	vld.idx.msk [tilespmem:v0+s16+$0x470 ss:$0x1], $0xffff  }
0x4c: {  	v57 =	vld.idx.msk [tilespmem:v0+s21+$0x410 ss:$0x1], $0xffff  }
0x4d: {  	[tilespmem:s18+$0x1860 ss:$0x41] =	vst.msk $0xffff, v8;
	v58 =	vld.idx.msk [tilespmem:v0+s21+$0x420 ss:$0x1], $0xffff  }
0x4e: {  	[tilespmem:s18+$0x2490 ss:$0x41] =	vst.msk $0xffff, v1;
	v59 =	vld.idx.msk [tilespmem:v0+s21+$0x430 ss:$0x1], $0xffff  }
0x4f: {  	[tilespmem:s18+$0x28A0 ss:$0x41] =	vst.msk $0xffff, v2;
	v60 =	vld.idx.msk [tilespmem:v0+s21+$0x440 ss:$0x1], $0xffff  }
0x50: {  	[tilespmem:s18+$0x2CB0 ss:$0x41] =	vst.msk $0xffff, v3;
	s22 =	sand.u32 $0x3B00, s21;
	v61 =	vld.idx.msk [tilespmem:v0+s21+$0x450 ss:$0x1], $0xffff  }
0x51: {  	s20 =	sand.u32 $0x80, s20;
	[tilespmem:s18+$0x1C70 ss:$0x41] =	vst.msk $0xffff, v7;
	v62 =	vld.idx.msk [tilespmem:v0+s21+$0x460 ss:$0x1], $0xffff;
	s15 =	sadd.s32 s22, s15  }
0x52: {  	v63 =	vld.idx.msk [tilespmem:v0+s21+$0x470 ss:$0x1], $0xffff;
	[tilespmem:s18+$0x30C0 ss:$0x41] =	vst.msk $0xffff, v4;
	s15 =	sadd.s32 s20, s15  }
0x53: {  	[tilespmem:s18+$0x34D0 ss:$0x41] =	vst.msk $0xffff, v5;
	v48 =	vld [tilespmem:s15+$0x400]  }
0x54: {  	s26 =	sshra.s32 s19, $0x2;
	v49 =	vld [tilespmem:s15+$0x0];
	[tilespmem:s18+$0x38E0 ss:$0x41] =	vst.msk $0xffff, v6  }
0x55: {  	s16 =	sadd.s32 s26, s17;
	v50 =	vld [tilespmem:s15+$0x10];
	[tilespmem:s18+$0x3CF0 ss:$0x41] =	vst.msk $0xffff, v47  }
0x56: {  	v51 =	vld [tilespmem:s15+$0x20];
	[tilespmem:s16+$0x2490 ss:$0x41] =	vst.msk $0xffff, v57  }
0x57: {  	v52 =	vld [tilespmem:s15+$0x30];
	[tilespmem:s16+$0x28A0 ss:$0x41] =	vst.msk $0xffff, v58  }
0x58: {  	v53 =	vld [tilespmem:s15+$0x40];
	[tilespmem:s16+$0x2CB0 ss:$0x41] =	vst.msk $0xffff, v59  }
0x59: {  	s13 =	sshll.u32 s13, $0x7;
	s27 =	sshll.u32 s11, $0x3;
	v54 =	vld [tilespmem:s15+$0x50];
	[tilespmem:s16+$0x30C0 ss:$0x41] =	vst.msk $0xffff, v60  }
0x5a: {  	s28 =	sand.u32 $0xFFFFFC00, s13;
	s17 =	sand.u32 $0xFFFFFC00, s27;
	v55 =	vld [tilespmem:s15+$0x60];
	[tilespmem:s16+$0x34D0 ss:$0x41] =	vst.msk $0xffff, v61  }
0x5b: {  	s13 =	sand.u32 $0x380, s13;
	v56 =	vld [tilespmem:s15+$0x70];
	s15 =	sadd.s32 s28, s17;
	[tilespmem:s16+$0x38E0 ss:$0x41] =	vst.msk $0xffff, v62  }
0x5c: {  	s13 =	sor.u32 s13, s15;
	[tilespmem:s16+$0x3CF0 ss:$0x41] =	vst.msk $0xffff, v63  }
0x5d: {  	s13 =	sshrl.u32 s13, $0x7;
	[tilespmem:s16+$0x2080 ss:$0x41] =	vst.msk $0xffff, v48  }
0x5e: {  	s29 =	smulhi.u32 $0x2762763, s13;
	[tilespmem:s16+$0x0 ss:$0x41] =	vst.msk $0xffff, v49  }
0x5f: {  	[tilespmem:s16+$0x410 ss:$0x41] =	vst.msk $0xffff, v50  }
0x60: {  	s12 =	smul.u32 $0x6800, s12;
	[tilespmem:s16+$0x820 ss:$0x41] =	vst.msk $0xffff, v51;
	s15 =	sshrl.u32 s29, $0x4  }
0x61: {  	[tilespmem:s16+$0xC30 ss:$0x41] =	vst.msk $0xffff, v52;
	s15 =	smul.u32 $0x680, s15  }
.Ltmp4:
0x62: {  	s30 =	sshrl.u32 s11, $0x3;
	s31 =	sand.u32 $0x7, s11;
	[tilespmem:s16+$0x1040 ss:$0x41] =	vst.msk $0xffff, v53;
	(pc) =	sbr.rel .LBB1_5-.Ltmp4, $4  }
0x63: {  	s12 =	sadd.s32 s3, s12;
	[tilespmem:s16+$0x1450 ss:$0x41] =	vst.msk $0xffff, v54;
	s13 =	ssub.s32 s13, s15;
	s15 =	sand.u32 $0xF, s30  }
0x64: {  	s11 =	sshll.u32 s31, $0x12;
	[tilespmem:s16+$0x1860 ss:$0x41] =	vst.msk $0xffff, v55;
	s13 =	sshll.u32 s13, $0x4;
	s12 =	sadd.s32 s15, s12  }
0x65: {  	s11 =	sor.u32 $0x40, s11;
	[tilespmem:s16+$0x1C70 ss:$0x41] =	vst.msk $0xffff, v56;
	s12 =	sadd.s32 s13, s12  }
0x66: {  	[hbm4b:s12+s11] =	stream.strided.scatter [tilespmem:s14], [sflag:$0x2], $0x4000, s6, s11, $0x18;
	[tilespmem:$0x10200] =	vst v63  }
.LBB1_6:
0x67: {  	_ =	sfence.sel $0x180000  }
0x68: {  	s2 =	simm.s32 $0x1;
	[bflag:$0x0] =	sbarrier.arrive $0xFFFF  }
0x69: {  	s31 =	simm.s32 $0x2;
	[sflag:s2] =	ssyncpa.u1 $0x1  }
0x6a: {  	[sflag:s31] =	ssyncpa.u1 $0x1  }
0x6b: {  	p0 =	sne.s32 s1, $0x0;
	_ =	strace $0x90000047  }
0x6c: {  	s0 =	sadd.s32 @!p0 $0x100000, s0;
	[bflag:$0x2] =	sbarrier.arrive $0xFFFF  }
0x6d: {  	[sflag:s0] =	ssyncadd.tile.s32 @!p0 $0x1;
	_ =	shalt  }
.Lfunc_end1:
_tile_overlayer_lowered:
.L_overlay_start_2:
0x6e: {  	(tag) =	ssettag $0x2  }
0x6f: {  	s0 =	rddreg [dreg:$0x0];
	s2 =	stileid.u32  }
0x70: {  	s1 =	rddreg [dreg:$0x1];
	p0 =	sne.s32 s2, $0x0  }
0x71: {  	s3 =	rddreg [dreg:$0x2];
	[bflag:$0x3] =	sbarrier.arrive $0xFFFF;
	s2 =	simm.s32 @!p0 $0x1C01  }
0x72: {  	[timem:s3], [sflag:s2] =	dma.local @!p0 [hbm:s0], s1  }
0x73: {  	s0 =	simm.s32 @!p0 $0x1  }
0x74: {  	_ =	swait.ge @!p0 [sflag:s0], s1  }
0x75: {  	s1 =	ssub.s32 @!p0 $0x0, s1;
	[sflag:s0] =	ssyncset.done @!p0 $0x0  }
0x76: {  	[sflag:s0] =	ssyncadd.s32 @!p0 s1  }
0x77: {  	[bflag:$0x3] =	sbarrier.arrive $0xFFFF  }
0x78: {  	_ =	shalt  }

// kernel: sparse-core-data-format-call.cloned.1.call-start
scs
called_computation_lowered:
.L_overlay_start_0:
0x0: {  	s2 =	sld [smem:$0x3FD9]  }
0x1: {  	s3 =	sld [smem:$0x3FFE];
	_ =	sdelay $0x1  }
0x2: {  	s1 =	srdreg.scid  }
0x3: {  	s0 =	sand.u32 $0x1, s1  }
0x4: {  	s18 =	sshll.u32 s0, $0xA;
	s2 =	sadd.s32 s3, s2  }
0x5: {  	s2 =	sadd.s32 s2, s18  }
0x6: {  	[smem:$0x3FC5] =	sst s2  }
0x7: {  	_ = 	snop  }
0x8: {  	(tm) =	ssettm $0x1  }
0x9: {  	s19 =	sld [smem:$0x3FFB];
	_ =	sdelay $0x3  }
0xa: {  	_ =	strace s19  }
0xb: {  	s2 =	sld [smem:$0x3FFC];
	_ =	sdelay $0x3  }
0xc: {  	_ =	strace s2  }
0xd: {  	s2 =	sld [smem:$0x3FFD];
	_ =	sdelay $0x3  }
0xe: {  	_ =	strace s2  }
0xf: {  	_ =	strace $0x8FFFFFFF  }
0x10: {  	s20 =	sld [smem:$0x3FDB];
	_ =	sdelay $0x1  }
0x11: {  	s21 =	simm.s32 $_scs_section_size  }
0x12: {  	s4 =	simm.s32 $_size__tile_overlayer_lowered;
	s5 =	simm.s32 $_tile_overlayer_lowered  }
0x13: {  	s6 =	simm.s32 $0x1BFF;
	s22 =	sshll.u32 s5, $0x1;
	s3 =	sadd.s32 s21, s20  }
0x14: {  	s23 =	simm.s32 $0x0;
	s4 =	sshll.u32 s4, $0x1;
	s5 =	sadd.s32 s22, s3  }
0x15: {  	[timem:s23], [sflag:s6] =	dma.local [hbm:s5], s4  }
0x16: {  	_ =	swait.ge [sflag:s6], s4  }
0x17: {  	s4 =	ssub.s32 $0x0, s4;
	[sflag:s6] =	ssyncset.done $0x0  }
0x18: {  	[sflag:s6] =	ssyncadd.s32 s4;
	_ =	sdelay $0x1  }
0x19: {  	s24 =	simm.s32 $0x1B8B  }
0x1a: {  	_ =	swait.ge [sflag:s24], $0x1  }
0x1b: {  	[sflag:s24] =	ssyncset.done $0x0  }
0x1c: {  	[sflag:s24] =	ssyncadd.s32 $0xFFFFFFFF  }
0x1d: {  	s4 =	sld [smem:$0x0]  }
0x1e: {  	s5 =	sand.u32 $0xFFFFFFFE, s1  }
0x1f: {  	p0 =	sne.s32 s1, s5  }
0x20: {  	s5 =	sshll.u32 @p0 s5, $0xE  }
0x21: {  	s5 =	sadd.s32 @p0 $0x11B8D, s5;
	s6 =	sshll.u32 @p0 s4, $0x11  }
0x22: {  	s5 =	sor.u32 @p0 s6, s5  }
0x23: {  	[sflag:s5] =	ssyncadd.remote.s32 @p0 $0x1;
	_ =	sdelay $0x1  }
0x24: {  	s5 =	simm.s32 @p0 $0x1B8D  }
0x25: {  	_ =	swait.eq @p0 [sflag:s5], $0x1  }
0x26: {  	[sflag:s5] =	ssyncadd.s32 @p0 $0xFFFFFFFF  }
0x27: {  	s6 =	sshll.u32 @!p0 s1, $0xE  }
0x28: {  	s6 =	sor.u32 @!p0 $0x4000, s6;
	s5 =	simm.s32 @!p0 $0x1B8D  }
0x29: {  	s4 =	sshll.u32 @!p0 s4, $0x11;
	s6 =	sadd.s32 @!p0 $0x11B8D, s6;
	_ =	swait.eq @!p0 [sflag:s5], $0x1  }
0x2a: {  	s4 =	sor.u32 @!p0 s4, s6;
	[sflag:s5] =	ssyncadd.s32 @!p0 $0xFFFFFFFF  }
0x2b: {  	s26 =	simm.s32 $0x1B8E;
	s25 =	sld [smem:$0x3FFE];
	[sflag:s4] =	ssyncadd.remote.s32 @!p0 $0x1  }
0x2c: {  	s27 =	simm.s32 $execute0_lowered;
	[smem:$0x3FD2] =	sst s26  }
0x2d: {  	s5 =	sshll.u32 s27, $0x1;
	_ =	strace $0x8000004C;
	[dreg:$0x1] =	wrdreg $0xFFFFFFFF  }
0x2e: {  	s28 =	simm.s32 $_size_execute0_lowered;
	s3 =	sadd.s32 s3, s5;
	[dreg:$0x0] =	wrdreg $0x0  }
0x2f: {  	s5 =	sshll.u32 s28, $0x1;
	[dreg:$0x2] =	wrdreg s3  }
0x30: {  	[dreg:$0x3] =	wrdreg s5  }
0x31: {  	[dreg:$0x4] =	wrdreg $0xC0  }
0x32: {  	_ =	task [dreg:s23], $0x5FFFF  }
0x33: {  	[dreg:$0x1] =	wrdreg $0xFFFFFFFF  }
0x34: {  	[dreg:$0x0] =	wrdreg $0x60  }
0x35: {  	[dreg:$0x2] =	wrdreg s25  }
0x36: {  	[dreg:$0x3] =	wrdreg $0x9  }
0x37: {  	_ =	task.clear_ibuf [dreg:s23], $0x4FFFF;
	_ =	strace $0x9000004C  }
0x38: {  	s29 =	simm.s32 $0x9;
	_ =	strace $0x8000004E  }
0x39: {  	_ =	swait.ge [sflag:s29], $0x1  }
0x3a: {  	[sflag:s29] =	ssyncadd.s32 $0xFFFFFFFF  }
0x3b: {  	_ =	strace $0x9000004E  }
0x3c: {  	_ =	sfence  }
0x3d: {  	s30 =	sld [smem:$0x0];
	_ =	sdelay $0x2  }
0x3e: {  	s31 =	sshll.u32 s1, $0xD;
	s1 =	sshrl.u32 s1, $0x2  }
0x3f: {  	s4 =	sand.u32 $0x4000, s31;
	s1 =	sadd.s32 s1, s30  }
0x40: {  	s0 =	sor.u32 s4, s0;
	s1 =	sshll.u32 s1, $0x11  }
0x41: {  	s0 =	sor.u32 s1, s0  }
0x42: {  	s0 =	sadd.s32 $0x8F2B, s0  }
0x43: {  	[sflag:s0] =	ssyncadd.remote.s32 $0x1  }
0x44: {  	_ =	sfence.sel $0xFFFF  }
0x45: {  	[dreg:$0x0] =	wrdreg $0xFFFFFFFF;
	(pc) =	sbr.abs _section_cstart, $3  }
0x46: {  	[dreg:$0x1] =	wrdreg $0xFFFFFFFF  }
0x47: {  	_ =	task.clear_ibuf [dreg:s23], $0x2FFFF;
	_ =	strace $0x9FFFFFFF  }
0x48: {  	(tm) =	ssettm $0x7FFFFFFF  }
0x49: {  	_ =	shalt  }
tec
execute0_lowered:
.L_overlay_start_1:
0x0: {  	(tag) =	ssettag $0x1  }
0x1: {  	s0 =	srdreg.scid  }
0x2: {  	s1 =	sshll.u32 s0, $0x4  }
0x3: {  	s6 =	rddreg [dreg:$0x0];
	s0 =	stileid.u32;
	s1 =	sand.u32 $0x10, s1  }
0x4: {  	s5 =	simm.s32 $0x1;
	s31 =	simm.s32 $0x2;
	s1 =	sor.u32 s0, s1  }
0x5: {  	s12 =	simm.s32 $0x0;
	s8 =	simm.s32 $0x8000;
	s2 =	sshll.u32 s1, $0x7  }
0x6: {  	s13 =	simm.s32 $0x0;
	s9 =	simm.s32 $0x0;
	s3 =	ssub.s32 $0x1000, s2  }
0x7: {  	s11 =	simm.s32 $0x0;
	s1 =	rddreg [dreg:$0x1];
	s4 =	sand.u32 $0xF80, s3  }
.Ltmp0:
0x8: {  	_ =	strace $0x8000004D;
	p0 =	sne.s32 s4, $0x0;
	(pc) =	sbr.rel .LBB1_1-.Ltmp0, $4  }
0x9: {  	s10 =	smov.u32 s2;
	s7 =	sshrl.u32 s3, $0xC;
	s5 =	simm.s32 @!p0 $0x0  }
0xa: {  	s3 =	sadd.s32 $0x3E71200, s6;
	s4 =	simm.s32 $0x1;
	s5 =	sadd.s32 s5, s7  }
0xb: {  	s6 =	sadd.s32 $0x4671200, s6;
	[sflag:s4] =	ssyncpa.u1 $0x0;
	s5 =	sshll.u32 s5, $0x7  }
0xc: {  	p0 =	por $0x0, $0x0;
	[sflag:s31] =	ssyncpa.u1 $0x0;
	s7 =	sor.u32 $0x1, s5  }
.LBB1_4:
0xd: {  	s16 =	sshll.u32 s13, $0x3;
	s17 =	sand.u32 $0x78, s13  }
0xe: {  	s30 =	sand.u32 $0x7E00, s13;
	s12 =	sshll.u32 s12, $0xF;
	s16 =	sand.u32 $0xC00, s16  }
0xf: {  	[tilespmem:s15+$0x810 ss:$0x81] =	vst.msk $0xffff, v2;
	s31 =	sand.u32 $0x7, s13;
	s16 =	sor.u32 s17, s16;
	s17 =	sadd.s32 s6, s30  }
0x10: {  	[tilespmem:s15+$0x1020 ss:$0x81] =	vst.msk $0xffff, v0;
	s13 =	sshll.u32 s31, $0x12;
	s12 =	sadd.s32 s12, s17;
	s16 =	sshrl.u32 s16, $0x3  }
0x11: {  	[tilespmem:s15+$0x0 ss:$0x81] =	vst.msk $0xffff, v1;
	s13 =	sor.u32 $0x400, s13;
	s12 =	sadd.s32 s16, s12  }
0x12: {  	[hbm4b:s12+s13] =	stream.strided.scatter [tilespmem:s14], [sflag:$0x2], $0x2000, s8, s13, $0x20;
	[tilespmem:$0x8080] =	vst v63  }
.LBB1_5:
0x13: {  	s14 =	sadd.s32 $0x1, s9  }
0x14: {  	s12 =	sadd.s32 $0x1000, s10;
	s16 =	smov.u32 s10;
	p2 =	sgt.s32 s14, $0x7F  }
0x15: {  	s16 =	smov.u32 @p2 s12  }
0x16: {  	s14 =	simm.s32 @p2 $0x0;
	p2 =	sgt.s32 s16, $0xFFF  }
0x17: {  	s16 =	smov.u32 @p2 s2;
	p2 =	sne.s32 s11, s7  }
.Ltmp1:
0x18: {  	p1 =	slt.u32 s11, $0x2;
	(pc) =	sbr.rel @!p2 .LBB1_6-.Ltmp1, $4  }
0x19: {  	s15 =	simm.s32 @!p1 $0x2  }
0x1a: {  	s13 =	smov.u32 s10;
	p0 =	por !p0, !p0;
	_ =	swait.ge @!p1 [sflag:s15], $0x2000  }
0x1b: {  	s12 =	smov.u32 s9;
	[sflag:s15] =	ssyncset.done @!p1 $0x0;
	s9 =	smov.u32 s14  }
0x1c: {  	s11 =	sadd.s32 $0x1, s11;
	[sflag:s15] =	ssyncadd.s32 @!p1 $0xFFFFE000;
	s10 =	smov.u32 s16  }
.LBB1_1:
0x1d: {  	p1 =	sge.u32 s11, s5  }
0x1e: {  	s31 =	sadd.s32 $0xFFFFFFFF, s11;
	s14 =	sxor.u32 @!p1 $0xFFFFFFFF, s11  }
0x1f: {  	s15 =	sshll.u32 @!p1 s10, $0xB;
	s16 =	sshll.u32 @!p1 s9, $0x4;
	s17 =	simm.s32 @!p1 $0x4000  }
0x20: {  	s14 =	sshll.u32 @!p1 s14, $0xD;
	s16 =	sand.u32 @!p1 $0x7F0, s16;
	s15 =	sadd.s32 @!p1 s3, s15  }
0x21: {  	s14 =	sand.u32 @!p1 $0x2000, s14;
	s15 =	sadd.s32 @!p1 s16, s15;
	s16 =	simm.s32 @!p1 $0x40  }
0x22: {  	[tilespmem:s14], [sflag:$0x1] =	stream.strided.gather @!p1 [hbm4b:s15+s16], $0x2000, s17, s16, $0x38;
	[tilespmem:$0x8080] =	vst v63  }
0x23: {  	p1 =	sge.u32 s31, s5  }
.Ltmp2:
0x24: {  	_ = 	snop;
	(pc) =	sbr.rel @p1 .LBB1_5-.Ltmp2, $1  }
0x25: {  	_ =	sdelay $0x3  }
0x26: {  	s14 =	simm.s32 $0x1  }
0x27: {  	_ =	swait.ge [sflag:s4], $0x2000;
	s14 =	simm.s32 @!p0 $0x0  }
0x28: {  	[sflag:s4] =	ssyncset.done $0x0;
	s15 =	sshll.u32 s14, $0xD  }
0x29: {  	[sflag:s4] =	ssyncadd.s32 $0xFFFFE000;
	s18 =	sor.u32 $0x20, s15  }
0x2a: {  	s14 =	smul.u32 $0x8100, s14;
	v3 =	vld [tilespmem:s18+$0x10]  }
0x2b: {  	s30 =	sand.u32 $0x1, s11;
	v2 =	vld [tilespmem:s18+$0xFFFFFFF0]  }
0x2c: {  	s15 =	smul.u32 $0x8100, s30;
	s14 =	sshrl.u32 s14, $0x2;
	v0 =	vld [tilespmem:s18+$0x0]  }
0x2d: {  	v1 =	vld [tilespmem:s18+$0xFFFFFFE0];
	s16 =	sor.u32 $0x4000, s14  }
0x2e: {  	s31 =	sshrl.u32 s15, $0x2;
	s15 =	sadd.s32 $0x0, s16  }
0x2f: {  	s17 =	simm.s32 $0x4;
	s18 =	sadd.s32 $0x40, s18;
	s14 =	sor.u32 $0x4000, s31;
	[tilespmem:s15+$0x1830 ss:$0x81] =	vst.msk $0xffff, v3  }
.LBB1_3:
0x30: {  	v3 =	vld [tilespmem:s18+$0x10];
	p1 =	sne.s32 s17, $0x1FC;
	[tilespmem:s15+$0x810 ss:$0x81] =	vst.msk $0xffff, v2;
	s19 =	smov.u32 s17;
	s17 =	sadd.s32 $0x4, s17  }
.Ltmp3:
0x31: {  	v2 =	vld [tilespmem:s18+$0xFFFFFFF0];
	[tilespmem:s15+$0x1020 ss:$0x81] =	vst.msk $0xffff, v0;
	(pc) =	sbr.rel @p1 .LBB1_3-.Ltmp3, $4  }
0x32: {  	v0 =	vld [tilespmem:s18+$0x0];
	[tilespmem:s15+$0x0 ss:$0x81] =	vst.msk $0xffff, v1  }
0x33: {  	s15 =	sshra.s32 s19, $0x2;
	v1 =	vld [tilespmem:s18+$0xFFFFFFE0]  }
0x34: {  	s15 =	sadd.s32 s15, s16  }
0x35: {  	s18 =	sadd.s32 $0x40, s18;
	[tilespmem:s15+$0x1830 ss:$0x81] =	vst.msk $0xffff, v3  }
.Ltmp4:
0x36: {  	_ = 	snop;
	(pc) =	sbr.rel .LBB1_4-.Ltmp4, $1  }
0x37: {  	_ =	sdelay $0x3  }
.LBB1_6:
0x38: {  	_ =	sfence.sel $0x180000  }
0x39: {  	s2 =	simm.s32 $0x1;
	[bflag:$0x0] =	sbarrier.arrive $0xFFFF  }
0x3a: {  	s31 =	simm.s32 $0x2;
	[sflag:s2] =	ssyncpa.u1 $0x1  }
0x3b: {  	[sflag:s31] =	ssyncpa.u1 $0x1  }
0x3c: {  	p0 =	sne.s32 s0, $0x0;
	_ =	strace $0x9000004D  }
0x3d: {  	s0 =	sadd.s32 @!p0 $0x100000, s1;
	[bflag:$0x2] =	sbarrier.arrive $0xFFFF  }
0x3e: {  	[sflag:s0] =	ssyncadd.tile.s32 @!p0 $0x1;
	_ =	shalt  }
.Lfunc_end1:
_tile_overlayer_lowered:
.L_overlay_start_2:
0x3f: {  	(tag) =	ssettag $0x2  }
0x40: {  	s0 =	rddreg [dreg:$0x0];
	s2 =	stileid.u32  }
0x41: {  	s1 =	rddreg [dreg:$0x1];
	p0 =	sne.s32 s2, $0x0  }
0x42: {  	s3 =	rddreg [dreg:$0x2];
	[bflag:$0x3] =	sbarrier.arrive $0xFFFF;
	s2 =	simm.s32 @!p0 $0x1C01  }
0x43: {  	[timem:s3], [sflag:s2] =	dma.local @!p0 [hbm:s0], s1  }
0x44: {  	s0 =	simm.s32 @!p0 $0x1  }
0x45: {  	_ =	swait.ge @!p0 [sflag:s0], s1  }
0x46: {  	s1 =	ssub.s32 @!p0 $0x0, s1;
	[sflag:s0] =	ssyncset.done @!p0 $0x0  }
0x47: {  	[sflag:s0] =	ssyncadd.s32 @!p0 s1  }
0x48: {  	[bflag:$0x3] =	sbarrier.arrive $0xFFFF  }
0x49: {  	_ =	shalt  }

</sc_bundles>
